<compile_context>
chip_gen: v7x
topology: tpu7x:2x2x1
jax: 0.10.2.dev20260603
libtpu: 0.0.44.dev20260713+nightly
codegen_flags: <defaults>
</compile_context>

<pallas_src>
import functools

import jax
import jax.numpy as jnp
from jax import lax
from jax.experimental import pallas as pl
from jax.experimental.pallas import tpu as pltpu
from jax.experimental.pallas import tpu_sc as plsc

N = 100000
NUM_SEG = 1024
UNIT = 2000
G_UNIT = UNIT // 16
NUNITS = N // UNIT
SEG_PER_W = NUM_SEG // 16


def _mlp_body(st_ref, w1_ref, b1_ref, w2_ref, b2_ref, o_ref):
    ht = lax.dot_general(w1_ref[...], st_ref[...], (((1,), (0,)), ((), ())),
                         preferred_element_type=jnp.float32) + b1_ref[...]
    sil = ht * (1.0 / (1.0 + jnp.exp(-ht)))
    et = lax.dot_general(w2_ref[...], sil, (((1,), (0,)), ((), ())),
                         preferred_element_type=jnp.float32)
    o_ref[...] = et + b2_ref[...]


def _mlp(xt, w1, b1c, w2r, b2t):
    return pl.pallas_call(
        _mlp_body,
        grid=(1,),
        in_specs=[
            pl.BlockSpec((16, N), lambda i: (3, 0)),
            pl.BlockSpec((16, 16), lambda i: (0, 0)),
            pl.BlockSpec((16, 1), lambda i: (0, 0)),
            pl.BlockSpec((1, 16), lambda i: (0, 0)),
            pl.BlockSpec((1, 1), lambda i: (0, 0)),
        ],
        out_specs=pl.BlockSpec((1, N), lambda i: (0, 0)),
        out_shape=jax.ShapeDtypeStruct((1, N), jnp.float32),
    )(xt, w1, b1c, w2r, b2t)


def _seg_body(e_hbm, data_hbm, out_hbm, ev0, ev1, idv0, idv1, bins, partial,
              red, seg_out, shared, sem0, sem1):
    sid = lax.axis_index("s")
    u0 = jnp.where(sid < 2, 4 * sid, 8 + 3 * (sid - 2))
    nu = jnp.where(sid < 2, 4, 3)

    evs = (ev0, ev1)
    idvs = (idv0, idv1)
    sems = (sem0, sem1)

    def _cp(k):
        base = jnp.minimum(u0 + k, NUNITS - 1) * UNIT
        return (pltpu.make_async_copy(e_hbm.at[0, pl.ds(base, UNIT)],
                                      evs[k % 2], sems[k % 2]),
                pltpu.make_async_copy(data_hbm.at[pl.ds(base, UNIT)],
                                      idvs[k % 2], sems[k % 2]))

    cps = [_cp(k) for k in range(4)]
    cps[0][0].start()
    cps[0][1].start()
    cps[1][0].start()
    cps[1][1].start()

    lanes = lax.iota(jnp.int32, 16)
    zero16 = jnp.zeros((16,), jnp.float32)

    def _z(j, _):
        for r in range(16):
            bins[r, pl.ds(j * 16, 16)] = zero16
        return 0
    lax.fori_loop(0, NUM_SEG // 16, _z, 0)

    for k in range(4):
        @pl.when(jnp.asarray(k) < nu)
        def _(k=k):
            cps[k][0].wait()
            cps[k][1].wait()
            ev = evs[k % 2]
            idv = idvs[k % 2]

            def _group(g, _):
                row0 = g * 16
                e = ev[pl.ds(row0, 16)]
                ids = idv[pl.ds(row0, 16)]
                plsc.addupdate_scatter(bins, [lanes, ids], e)
                return 0

            lax.fori_loop(0, G_UNIT, _group, 0)

            if k + 2 < 4:

                @pl.when(jnp.asarray(k + 2) < nu)
                def _():
                    cps[k + 2][0].start()
                    cps[k + 2][1].start()

    def _red(gj, _):
        c0 = gj * 16
        acc = bins[0, pl.ds(c0, 16)]
        for r in range(1, 16):
            acc = acc + bins[r, pl.ds(c0, 16)]
        partial[pl.ds(c0, 16)] = acc
        return 0
    lax.fori_loop(0, NUM_SEG // 16, _red, 0)

    pltpu.sync_copy(partial, shared.at[sid])
    plsc.subcore_barrier()
    c0 = sid * SEG_PER_W
    pltpu.sync_copy(shared.at[:, pl.ds(c0, SEG_PER_W)], red)
    for j in range(SEG_PER_W // 16):
        acc = red[0, pl.ds(j * 16, 16)]
        for r in range(1, 16):
            acc = acc + red[r, pl.ds(j * 16, 16)]
        seg_out[pl.ds(j * 16, 16)] = acc
    pltpu.sync_copy(seg_out, out_hbm.at[pl.ds(c0, SEG_PER_W)])


@functools.partial(
    pl.kernel,
    mesh=plsc.VectorSubcoreMesh(core_axis_name="c", subcore_axis_name="s",
                                num_cores=1),
    out_type=jax.ShapeDtypeStruct((NUM_SEG,), jnp.float32),
    scratch_types=[
        pltpu.VMEM((UNIT,), jnp.float32),
        pltpu.VMEM((UNIT,), jnp.float32),
        pltpu.VMEM((UNIT,), jnp.int32),
        pltpu.VMEM((UNIT,), jnp.int32),
        pltpu.VMEM((16, NUM_SEG), jnp.float32),
        pltpu.VMEM((NUM_SEG,), jnp.float32),
        pltpu.VMEM((16, SEG_PER_W), jnp.float32),
        pltpu.VMEM((SEG_PER_W,), jnp.float32),
        pltpu.VMEM_SHARED((16, NUM_SEG), jnp.float32),
        pltpu.SemaphoreType.DMA,
        pltpu.SemaphoreType.DMA,
    ],
    compiler_params=pltpu.CompilerParams(use_tc_tiling_on_sc=False,
                                         needs_layout_passes=False),
)
def _sc_segsum(e_hbm, data_hbm, out_hbm, ev0, ev1, idv0, idv1, bins, partial,
               red, seg_out, shared, sem0, sem1):
    _seg_body(e_hbm, data_hbm, out_hbm, ev0, ev1, idv0, idv1, bins, partial,
              red, seg_out, shared, sem0, sem1)


def kernel(x, data, pos, W1, b1, W2, b2):
    data_i = data.astype(jnp.int32)
    xt = x.T
    w1 = W1.astype(jnp.float32)
    b1c = b1.astype(jnp.float32).reshape(16, 1)
    w2r = W2.astype(jnp.float32).reshape(1, 16)
    b2t = b2.astype(jnp.float32).reshape(1, 1)

    et = _mlp(xt, w1, b1c, w2r, b2t)
    E = _sc_segsum(et, data_i)
    F = jnp.zeros((N, 3), jnp.float32)
    return (E.reshape(NUM_SEG, 1), F)

# --- scband reference (transcript-rebuilt; emitter-appended) ---
"""Pipeline reference for scband-mpainnprediction-48120813585085 (READ-ONLY COPY).

The authoritative reference and input builder live on the scoring server;
editing this copy changes nothing except your own understanding.
"""

import jax, jax.numpy as jnp
import numpy as np

N = 100000
D = 64
NUM_GRAPHS = 1024

def setup_inputs(seed: int = 0) -> dict:
    key = jax.random.key(seed)
    k1, k2, k3, k4, k5 = jax.random.split(key, 5)
    x = jax.random.normal(k1, (N, D), dtype=jnp.float32)
    data = jnp.sort(jax.random.randint(k2, (N,), 0, NUM_GRAPHS))
    pos = jax.random.normal(k3, (N, 3), dtype=jnp.float32)
    W1 = jax.random.normal(k4, (16, 16), dtype=jnp.float32) * 0.25
    b1 = jnp.zeros((16,), dtype=jnp.float32)
    W2 = jax.random.normal(k5, (1, 16), dtype=jnp.float32) * 0.25
    b2 = jnp.zeros((1,), dtype=jnp.float32)
    return {"x": x, "data": data, "pos": pos, "W1": W1, "b1": b1, "W2": W2, "b2": b2}

def reference(x, data, pos, W1, b1, W2, b2):
    # data plays the role of data.batch (graph assignment per node)
    def energy(pos_):
        s = x[:, (x.shape[1] * 3) // 4:]
        s = s @ W1.T + b1
        s = jax.nn.silu(s)
        s = s @ W2.T + b2
        E = jax.ops.segment_sum(s, data, num_segments=NUM_GRAPHS)
        return E
    E_hat = energy(pos)
    # F_hat = -dE/dpos; E does not depend on pos in this standalone head, so grads are zeros
    F_hat = -jax.grad(lambda p: energy(p).sum())(pos)
    return (E_hat, F_hat)

if __name__ == "__main__":
    import jax
    _d = setup_inputs()
    print(jax.jit(kernel)(*tuple(_d.values())))

</pallas_src>

<mosaic_0001>
#map = affine_map<(d0, d1) -> (0, 0)>
#map1 = affine_map<(d0, d1) -> (0)>
module attributes {stable_mosaic.version = 14 : i64} {
  func.func @_sc_segsum(%arg0: i32, %arg1: i32, %arg2: memref<1x100000xf32, #tpu.memory_space<hbm>>, %arg3: memref<100000xi32, #tpu.memory_space<hbm>>, %arg4: memref<1024xf32, #tpu.memory_space<hbm>>, %arg5: memref<2000xf32, #tpu.memory_space<vmem>>, %arg6: memref<2000xf32, #tpu.memory_space<vmem>>, %arg7: memref<2000xi32, #tpu.memory_space<vmem>>, %arg8: memref<2000xi32, #tpu.memory_space<vmem>>, %arg9: memref<16x1024xf32, #tpu.memory_space<vmem>>, %arg10: memref<1024xf32, #tpu.memory_space<vmem>>, %arg11: memref<16x64xf32, #tpu.memory_space<vmem>>, %arg12: memref<64xf32, #tpu.memory_space<vmem>>, %arg13: memref<16x1024xf32, #tpu.memory_space<vmem_shared>>, %arg14: memref<!tpu.dma_semaphore, #tpu.memory_space<semaphore_mem>>, %arg15: memref<!tpu.dma_semaphore, #tpu.memory_space<semaphore_mem>>) attributes {dimension_semantics = [#tpu.dimension_semantics<core_parallel>, #tpu.dimension_semantics<subcore_parallel>], iteration_bounds = array<i64: 1, 16>, scalar_prefetch = 0 : i64, scratch_operands = 11 : i64, tpu.core_type = #tpu.core_type<sc_vector_subcore>, window_params = [{transform_indices = #map}, {transform_indices = #map1}, {transform_indices = #map1}]} {
    %lt3A = arith.constant 2 : i32
    %lt3A_0 = arith.cmpi slt, %arg1, %lt3A : i32
    %mul3A = arith.constant 4 : i32
    %mul3A_1 = arith.muli %mul3A, %arg1 : i32
    %sub3A = arith.constant 2 : i32
    %sub3A_2 = arith.subi %arg1, %sub3A : i32
    %mul3A_3 = arith.constant 3 : i32
    %mul3A_4 = arith.muli %mul3A_3, %sub3A_2 : i32
    %add3A = arith.constant 8 : i32
    %add3A_5 = arith.addi %add3A, %mul3A_4 : i32
    %select_n3A = arith.select %lt3A_0, %mul3A_1, %add3A_5 : i32
    %lt3A_6 = arith.constant 2 : i32
    %lt3A_7 = arith.cmpi slt, %arg1, %lt3A_6 : i32
    %jit3A = arith.constant 4 : i32
    %jit3A_8 = arith.constant 3 : i32
    %select_n3A_9 = arith.select %lt3A_7, %jit3A, %jit3A_8 : i32
    %add3A_10 = arith.constant 0 : i32
    %add3A_11 = arith.addi %select_n3A, %add3A_10 : i32
    %min3A = arith.constant 49 : i32
    %min3A_12 = arith.minsi %add3A_11, %min3A : i32
    %mul3A_13 = arith.constant 2000 : i32
    %mul3A_14 = arith.muli %min3A_12, %mul3A_13 : i32
    %add3A_15 = arith.constant 1 : i32
    %add3A_16 = arith.addi %select_n3A, %add3A_15 : i32
    %min3A_17 = arith.constant 49 : i32
    %min3A_18 = arith.minsi %add3A_16, %min3A_17 : i32
    %mul3A_19 = arith.constant 2000 : i32
    %mul3A_20 = arith.muli %min3A_18, %mul3A_19 : i32
    %add3A_21 = arith.constant 2 : i32
    %add3A_22 = arith.addi %select_n3A, %add3A_21 : i32
    %min3A_23 = arith.constant 49 : i32
    %min3A_24 = arith.minsi %add3A_22, %min3A_23 : i32
    %mul3A_25 = arith.constant 2000 : i32
    %mul3A_26 = arith.muli %min3A_24, %mul3A_25 : i32
    %add3A_27 = arith.constant 3 : i32
    %add3A_28 = arith.addi %select_n3A, %add3A_27 : i32
    %min3A_29 = arith.constant 49 : i32
    %min3A_30 = arith.minsi %add3A_28, %min3A_29 : i32
    %mul3A_31 = arith.constant 2000 : i32
    %mul3A_32 = arith.muli %min3A_30, %mul3A_31 : i32
    %dma_start3A = arith.constant 0 : i32
    %dma_start3A_33 = tpu.memref_slice %arg2[%dma_start3A, %mul3A_14] : memref<1x100000xf32, #tpu.memory_space<hbm>> -> memref<1x2000xf32, #tpu.memory_space<hbm>>
    %dma_start3A_34 = tpu.memref_squeeze %dma_start3A_33 : memref<1x2000xf32, #tpu.memory_space<hbm>> -> memref<2000xf32, #tpu.memory_space<hbm>>
    %dma_start3A_35 = tpu.memref_slice %arg2[%dma_start3A, %mul3A_14] : memref<1x100000xf32, #tpu.memory_space<hbm>> -> memref<1x2000xf32, #tpu.memory_space<hbm>>
    %dma_start3A_36 = tpu.memref_squeeze %dma_start3A_35 : memref<1x2000xf32, #tpu.memory_space<hbm>> -> memref<2000xf32, #tpu.memory_space<hbm>>
    tpu.enqueue_dma source(%dma_start3A_36 : memref<2000xf32, #tpu.memory_space<hbm>>) target(%arg5 : memref<2000xf32, #tpu.memory_space<vmem>>) target_semaphore(%arg14 : memref<!tpu.dma_semaphore, #tpu.memory_space<semaphore_mem>>)
    %dma_start3A_37 = tpu.memref_slice %arg3[%mul3A_14] : memref<100000xi32, #tpu.memory_space<hbm>> -> memref<2000xi32, #tpu.memory_space<hbm>>
    %dma_start3A_38 = tpu.memref_slice %arg3[%mul3A_14] : memref<100000xi32, #tpu.memory_space<hbm>> -> memref<2000xi32, #tpu.memory_space<hbm>>
    tpu.enqueue_dma source(%dma_start3A_38 : memref<2000xi32, #tpu.memory_space<hbm>>) target(%arg7 : memref<2000xi32, #tpu.memory_space<vmem>>) target_semaphore(%arg14 : memref<!tpu.dma_semaphore, #tpu.memory_space<semaphore_mem>>)
    %dma_start3A_39 = arith.constant 0 : i32
    %dma_start3A_40 = tpu.memref_slice %arg2[%dma_start3A_39, %mul3A_20] : memref<1x100000xf32, #tpu.memory_space<hbm>> -> memref<1x2000xf32, #tpu.memory_space<hbm>>
    %dma_start3A_41 = tpu.memref_squeeze %dma_start3A_40 : memref<1x2000xf32, #tpu.memory_space<hbm>> -> memref<2000xf32, #tpu.memory_space<hbm>>
    %dma_start3A_42 = tpu.memref_slice %arg2[%dma_start3A_39, %mul3A_20] : memref<1x100000xf32, #tpu.memory_space<hbm>> -> memref<1x2000xf32, #tpu.memory_space<hbm>>
    %dma_start3A_43 = tpu.memref_squeeze %dma_start3A_42 : memref<1x2000xf32, #tpu.memory_space<hbm>> -> memref<2000xf32, #tpu.memory_space<hbm>>
    tpu.enqueue_dma source(%dma_start3A_43 : memref<2000xf32, #tpu.memory_space<hbm>>) target(%arg6 : memref<2000xf32, #tpu.memory_space<vmem>>) target_semaphore(%arg15 : memref<!tpu.dma_semaphore, #tpu.memory_space<semaphore_mem>>)
    %dma_start3A_44 = tpu.memref_slice %arg3[%mul3A_20] : memref<100000xi32, #tpu.memory_space<hbm>> -> memref<2000xi32, #tpu.memory_space<hbm>>
    %dma_start3A_45 = tpu.memref_slice %arg3[%mul3A_20] : memref<100000xi32, #tpu.memory_space<hbm>> -> memref<2000xi32, #tpu.memory_space<hbm>>
    tpu.enqueue_dma source(%dma_start3A_45 : memref<2000xi32, #tpu.memory_space<hbm>>) target(%arg8 : memref<2000xi32, #tpu.memory_space<vmem>>) target_semaphore(%arg15 : memref<!tpu.dma_semaphore, #tpu.memory_space<semaphore_mem>>)
    %iota3A = tpu.iota {dimensions = array<i32: 0>} : vector<16xi32>
    %broadcast_in_dim3A = arith.constant 0.000000e+00 : f32
    %broadcast_in_dim3A_46 = vector.broadcast %broadcast_in_dim3A : f32 to vector<16xf32>
    %scan3A = arith.constant 0 : i32
    %scan3A_47 = arith.constant 0 : i32
    %scan3A_48 = arith.constant 64 : i32
    %scan3A_49 = arith.addi %scan3A_47, %scan3A_48 : i32
    %scan3A_50 = arith.constant 1 : i32
    %scan3A_51 = scf.for %scan3A_408 = %scan3A_47 to %scan3A_49 step %scan3A_50 iter_args(%scan3A_409 = %scan3A) -> (i32)  : i32 {
      %mul3A_410 = arith.constant 16 : i32
      %mul3A_411 = arith.muli %scan3A_408, %mul3A_410 : i32
      %swap3A_412 = arith.constant 0 : i32
      %swap3A_413 = arith.index_cast %swap3A_412 : i32 to index
      %swap3A_414 = arith.index_cast %mul3A_411 : i32 to index
      %swap3A_415 = tpu.vector_load %arg9[%swap3A_413, %swap3A_414] {strides = array<i32>} : memref<16x1024xf32, #tpu.memory_space<vmem>>, vector<16xf32>,
      tpu.vector_store %arg9[%swap3A_413, %swap3A_414], %broadcast_in_dim3A_46 {strides = array<i32>} : memref<16x1024xf32, #tpu.memory_space<vmem>>, vector<16xf32>,
      %mul3A_416 = arith.constant 16 : i32
      %mul3A_417 = arith.muli %scan3A_408, %mul3A_416 : i32
      %swap3A_418 = arith.constant 1 : i32
      %swap3A_419 = arith.index_cast %swap3A_418 : i32 to index
      %swap3A_420 = arith.index_cast %mul3A_417 : i32 to index
      %swap3A_421 = tpu.vector_load %arg9[%swap3A_419, %swap3A_420] {strides = array<i32>} : memref<16x1024xf32, #tpu.memory_space<vmem>>, vector<16xf32>,
      tpu.vector_store %arg9[%swap3A_419, %swap3A_420], %broadcast_in_dim3A_46 {strides = array<i32>} : memref<16x1024xf32, #tpu.memory_space<vmem>>, vector<16xf32>,
      %mul3A_422 = arith.constant 16 : i32
      %mul3A_423 = arith.muli %scan3A_408, %mul3A_422 : i32
      %swap3A_424 = arith.constant 2 : i32
      %swap3A_425 = arith.index_cast %swap3A_424 : i32 to index
      %swap3A_426 = arith.index_cast %mul3A_423 : i32 to index
      %swap3A_427 = tpu.vector_load %arg9[%swap3A_425, %swap3A_426] {strides = array<i32>} : memref<16x1024xf32, #tpu.memory_space<vmem>>, vector<16xf32>,
      tpu.vector_store %arg9[%swap3A_425, %swap3A_426], %broadcast_in_dim3A_46 {strides = array<i32>} : memref<16x1024xf32, #tpu.memory_space<vmem>>, vector<16xf32>,
      %mul3A_428 = arith.constant 16 : i32
      %mul3A_429 = arith.muli %scan3A_408, %mul3A_428 : i32
      %swap3A_430 = arith.constant 3 : i32
      %swap3A_431 = arith.index_cast %swap3A_430 : i32 to index
      %swap3A_432 = arith.index_cast %mul3A_429 : i32 to index
      %swap3A_433 = tpu.vector_load %arg9[%swap3A_431, %swap3A_432] {strides = array<i32>} : memref<16x1024xf32, #tpu.memory_space<vmem>>, vector<16xf32>,
      tpu.vector_store %arg9[%swap3A_431, %swap3A_432], %broadcast_in_dim3A_46 {strides = array<i32>} : memref<16x1024xf32, #tpu.memory_space<vmem>>, vector<16xf32>,
      %mul3A_434 = arith.constant 16 : i32
      %mul3A_435 = arith.muli %scan3A_408, %mul3A_434 : i32
      %swap3A_436 = arith.constant 4 : i32
      %swap3A_437 = arith.index_cast %swap3A_436 : i32 to index
      %swap3A_438 = arith.index_cast %mul3A_435 : i32 to index
      %swap3A_439 = tpu.vector_load %arg9[%swap3A_437, %swap3A_438] {strides = array<i32>} : memref<16x1024xf32, #tpu.memory_space<vmem>>, vector<16xf32>,
      tpu.vector_store %arg9[%swap3A_437, %swap3A_438], %broadcast_in_dim3A_46 {strides = array<i32>} : memref<16x1024xf32, #tpu.memory_space<vmem>>, vector<16xf32>,
      %mul3A_440 = arith.constant 16 : i32
      %mul3A_441 = arith.muli %scan3A_408, %mul3A_440 : i32
      %swap3A_442 = arith.constant 5 : i32
      %swap3A_443 = arith.index_cast %swap3A_442 : i32 to index
      %swap3A_444 = arith.index_cast %mul3A_441 : i32 to index
      %swap3A_445 = tpu.vector_load %arg9[%swap3A_443, %swap3A_444] {strides = array<i32>} : memref<16x1024xf32, #tpu.memory_space<vmem>>, vector<16xf32>,
      tpu.vector_store %arg9[%swap3A_443, %swap3A_444], %broadcast_in_dim3A_46 {strides = array<i32>} : memref<16x1024xf32, #tpu.memory_space<vmem>>, vector<16xf32>,
      %mul3A_446 = arith.constant 16 : i32
      %mul3A_447 = arith.muli %scan3A_408, %mul3A_446 : i32
      %swap3A_448 = arith.constant 6 : i32
      %swap3A_449 = arith.index_cast %swap3A_448 : i32 to index
      %swap3A_450 = arith.index_cast %mul3A_447 : i32 to index
      %swap3A_451 = tpu.vector_load %arg9[%swap3A_449, %swap3A_450] {strides = array<i32>} : memref<16x1024xf32, #tpu.memory_space<vmem>>, vector<16xf32>,
      tpu.vector_store %arg9[%swap3A_449, %swap3A_450], %broadcast_in_dim3A_46 {strides = array<i32>} : memref<16x1024xf32, #tpu.memory_space<vmem>>, vector<16xf32>,
      %mul3A_452 = arith.constant 16 : i32
      %mul3A_453 = arith.muli %scan3A_408, %mul3A_452 : i32
      %swap3A_454 = arith.constant 7 : i32
      %swap3A_455 = arith.index_cast %swap3A_454 : i32 to index
      %swap3A_456 = arith.index_cast %mul3A_453 : i32 to index
      %swap3A_457 = tpu.vector_load %arg9[%swap3A_455, %swap3A_456] {strides = array<i32>} : memref<16x1024xf32, #tpu.memory_space<vmem>>, vector<16xf32>,
      tpu.vector_store %arg9[%swap3A_455, %swap3A_456], %broadcast_in_dim3A_46 {strides = array<i32>} : memref<16x1024xf32, #tpu.memory_space<vmem>>, vector<16xf32>,
      %mul3A_458 = arith.constant 16 : i32
      %mul3A_459 = arith.muli %scan3A_408, %mul3A_458 : i32
      %swap3A_460 = arith.constant 8 : i32
      %swap3A_461 = arith.index_cast %swap3A_460 : i32 to index
      %swap3A_462 = arith.index_cast %mul3A_459 : i32 to index
      %swap3A_463 = tpu.vector_load %arg9[%swap3A_461, %swap3A_462] {strides = array<i32>} : memref<16x1024xf32, #tpu.memory_space<vmem>>, vector<16xf32>,
      tpu.vector_store %arg9[%swap3A_461, %swap3A_462], %broadcast_in_dim3A_46 {strides = array<i32>} : memref<16x1024xf32, #tpu.memory_space<vmem>>, vector<16xf32>,
      %mul3A_464 = arith.constant 16 : i32
      %mul3A_465 = arith.muli %scan3A_408, %mul3A_464 : i32
      %swap3A_466 = arith.constant 9 : i32
      %swap3A_467 = arith.index_cast %swap3A_466 : i32 to index
      %swap3A_468 = arith.index_cast %mul3A_465 : i32 to index
      %swap3A_469 = tpu.vector_load %arg9[%swap3A_467, %swap3A_468] {strides = array<i32>} : memref<16x1024xf32, #tpu.memory_space<vmem>>, vector<16xf32>,
      tpu.vector_store %arg9[%swap3A_467, %swap3A_468], %broadcast_in_dim3A_46 {strides = array<i32>} : memref<16x1024xf32, #tpu.memory_space<vmem>>, vector<16xf32>,
      %mul3A_470 = arith.constant 16 : i32
      %mul3A_471 = arith.muli %scan3A_408, %mul3A_470 : i32
      %swap3A_472 = arith.constant 10 : i32
      %swap3A_473 = arith.index_cast %swap3A_472 : i32 to index
      %swap3A_474 = arith.index_cast %mul3A_471 : i32 to index
      %swap3A_475 = tpu.vector_load %arg9[%swap3A_473, %swap3A_474] {strides = array<i32>} : memref<16x1024xf32, #tpu.memory_space<vmem>>, vector<16xf32>,
      tpu.vector_store %arg9[%swap3A_473, %swap3A_474], %broadcast_in_dim3A_46 {strides = array<i32>} : memref<16x1024xf32, #tpu.memory_space<vmem>>, vector<16xf32>,
      %mul3A_476 = arith.constant 16 : i32
      %mul3A_477 = arith.muli %scan3A_408, %mul3A_476 : i32
      %swap3A_478 = arith.constant 11 : i32
      %swap3A_479 = arith.index_cast %swap3A_478 : i32 to index
      %swap3A_480 = arith.index_cast %mul3A_477 : i32 to index
      %swap3A_481 = tpu.vector_load %arg9[%swap3A_479, %swap3A_480] {strides = array<i32>} : memref<16x1024xf32, #tpu.memory_space<vmem>>, vector<16xf32>,
      tpu.vector_store %arg9[%swap3A_479, %swap3A_480], %broadcast_in_dim3A_46 {strides = array<i32>} : memref<16x1024xf32, #tpu.memory_space<vmem>>, vector<16xf32>,
      %mul3A_482 = arith.constant 16 : i32
      %mul3A_483 = arith.muli %scan3A_408, %mul3A_482 : i32
      %swap3A_484 = arith.constant 12 : i32
      %swap3A_485 = arith.index_cast %swap3A_484 : i32 to index
      %swap3A_486 = arith.index_cast %mul3A_483 : i32 to index
      %swap3A_487 = tpu.vector_load %arg9[%swap3A_485, %swap3A_486] {strides = array<i32>} : memref<16x1024xf32, #tpu.memory_space<vmem>>, vector<16xf32>,
      tpu.vector_store %arg9[%swap3A_485, %swap3A_486], %broadcast_in_dim3A_46 {strides = array<i32>} : memref<16x1024xf32, #tpu.memory_space<vmem>>, vector<16xf32>,
      %mul3A_488 = arith.constant 16 : i32
      %mul3A_489 = arith.muli %scan3A_408, %mul3A_488 : i32
      %swap3A_490 = arith.constant 13 : i32
      %swap3A_491 = arith.index_cast %swap3A_490 : i32 to index
      %swap3A_492 = arith.index_cast %mul3A_489 : i32 to index
      %swap3A_493 = tpu.vector_load %arg9[%swap3A_491, %swap3A_492] {strides = array<i32>} : memref<16x1024xf32, #tpu.memory_space<vmem>>, vector<16xf32>,
      tpu.vector_store %arg9[%swap3A_491, %swap3A_492], %broadcast_in_dim3A_46 {strides = array<i32>} : memref<16x1024xf32, #tpu.memory_space<vmem>>, vector<16xf32>,
      %mul3A_494 = arith.constant 16 : i32
      %mul3A_495 = arith.muli %scan3A_408, %mul3A_494 : i32
      %swap3A_496 = arith.constant 14 : i32
      %swap3A_497 = arith.index_cast %swap3A_496 : i32 to index
      %swap3A_498 = arith.index_cast %mul3A_495 : i32 to index
      %swap3A_499 = tpu.vector_load %arg9[%swap3A_497, %swap3A_498] {strides = array<i32>} : memref<16x1024xf32, #tpu.memory_space<vmem>>, vector<16xf32>,
      tpu.vector_store %arg9[%swap3A_497, %swap3A_498], %broadcast_in_dim3A_46 {strides = array<i32>} : memref<16x1024xf32, #tpu.memory_space<vmem>>, vector<16xf32>,
      %mul3A_500 = arith.constant 16 : i32
      %mul3A_501 = arith.muli %scan3A_408, %mul3A_500 : i32
      %swap3A_502 = arith.constant 15 : i32
      %swap3A_503 = arith.index_cast %swap3A_502 : i32 to index
      %swap3A_504 = arith.index_cast %mul3A_501 : i32 to index
      %swap3A_505 = tpu.vector_load %arg9[%swap3A_503, %swap3A_504] {strides = array<i32>} : memref<16x1024xf32, #tpu.memory_space<vmem>>, vector<16xf32>,
      tpu.vector_store %arg9[%swap3A_503, %swap3A_504], %broadcast_in_dim3A_46 {strides = array<i32>} : memref<16x1024xf32, #tpu.memory_space<vmem>>, vector<16xf32>,
      %scan3A_506 = arith.constant 0 : i32
      scf.yield %scan3A_506 : i32
    }
    %scan3A_52 = arith.constant 64 : i32
    %lt3A_53 = arith.constant 0 : i32
    %lt3A_54 = arith.cmpi slt, %lt3A_53, %select_n3A_9 : i32
    %convert_element_type3A = arith.extui %lt3A_54 : i1 to i32
    %cond3A = arith.constant 0 : i32
    %cond3A_55 = arith.constant 0 : i32
    %cond3A_56 = arith.constant 0 : i32
    %cond3A_57 = arith.cmpi ne, %convert_element_type3A, %cond3A_56 : i32
    scf.if %cond3A_57 {
      %dma_wait3A = tpu.memref_slice %arg2[%cond3A, %mul3A_14] : memref<1x100000xf32, #tpu.memory_space<hbm>> -> memref<1x2000xf32, #tpu.memory_space<hbm>>
      %dma_wait3A_408 = tpu.memref_squeeze %dma_wait3A : memref<1x2000xf32, #tpu.memory_space<hbm>> -> memref<2000xf32, #tpu.memory_space<hbm>>
      %dma_wait3A_409 = tpu.memref_slice %arg2[%cond3A, %mul3A_14] : memref<1x100000xf32, #tpu.memory_space<hbm>> -> memref<1x2000xf32, #tpu.memory_space<hbm>>
      %dma_wait3A_410 = tpu.memref_squeeze %dma_wait3A_409 : memref<1x2000xf32, #tpu.memory_space<hbm>> -> memref<2000xf32, #tpu.memory_space<hbm>>
      tpu.wait_dma2 semaphore(%arg14 : memref<!tpu.dma_semaphore, #tpu.memory_space<semaphore_mem>>) src(%dma_wait3A_410 : memref<2000xf32, #tpu.memory_space<hbm>>) dst(%arg5 : memref<2000xf32, #tpu.memory_space<vmem>>)
      %dma_wait3A_411 = tpu.memref_slice %arg3[%mul3A_14] : memref<100000xi32, #tpu.memory_space<hbm>> -> memref<2000xi32, #tpu.memory_space<hbm>>
      %dma_wait3A_412 = tpu.memref_slice %arg3[%mul3A_14] : memref<100000xi32, #tpu.memory_space<hbm>> -> memref<2000xi32, #tpu.memory_space<hbm>>
      tpu.wait_dma2 semaphore(%arg14 : memref<!tpu.dma_semaphore, #tpu.memory_space<semaphore_mem>>) src(%dma_wait3A_412 : memref<2000xi32, #tpu.memory_space<hbm>>) dst(%arg7 : memref<2000xi32, #tpu.memory_space<vmem>>)
      %scan3A_413 = arith.constant 0 : i32
      %scan3A_414 = arith.constant 0 : i32
      %scan3A_415 = arith.constant 125 : i32
      %scan3A_416 = arith.addi %scan3A_414, %scan3A_415 : i32
      %scan3A_417 = arith.constant 1 : i32
      %scan3A_418 = scf.for %scan3A_425 = %scan3A_414 to %scan3A_416 step %scan3A_417 iter_args(%scan3A_426 = %scan3A_413) -> (i32)  : i32 {
        %mul3A_427 = arith.constant 16 : i32
        %mul3A_428 = arith.muli %scan3A_425, %mul3A_427 : i32
        %get3A_429 = arith.index_cast %mul3A_428 : i32 to index
        %get3A_430 = tpu.vector_load %arg5[%get3A_429] {strides = array<i32>} : memref<2000xf32, #tpu.memory_space<vmem>>, vector<16xf32>,
        %get3A_431 = arith.index_cast %mul3A_428 : i32 to index
        %get3A_432 = tpu.vector_load %arg7[%get3A_431] {strides = array<i32>} : memref<2000xi32, #tpu.memory_space<vmem>>, vector<16xi32>,
        tpu.vector_store_idx %arg9[%iota3A, %get3A_432], %get3A_430 {add = true} : memref<16x1024xf32, #tpu.memory_space<vmem>>[vector<16xi32>, vector<16xi32>], vector<16xf32>,
        %scan3A_433 = arith.constant 0 : i32
        scf.yield %scan3A_433 : i32
      }
      %scan3A_419 = arith.constant 125 : i32
      %lt3A_420 = arith.constant 2 : i32
      %lt3A_421 = arith.cmpi slt, %lt3A_420, %select_n3A_9 : i32
      %convert_element_type3A_422 = arith.extui %lt3A_421 : i1 to i32
      %cond3A_423 = arith.constant 0 : i32
      %cond3A_424 = arith.cmpi ne, %convert_element_type3A_422, %cond3A_423 : i32
      scf.if %cond3A_424 {
        %dma_start3A_425 = tpu.memref_slice %arg2[%cond3A_55, %mul3A_26] : memref<1x100000xf32, #tpu.memory_space<hbm>> -> memref<1x2000xf32, #tpu.memory_space<hbm>>
        %dma_start3A_426 = tpu.memref_squeeze %dma_start3A_425 : memref<1x2000xf32, #tpu.memory_space<hbm>> -> memref<2000xf32, #tpu.memory_space<hbm>>
        %dma_start3A_427 = tpu.memref_slice %arg2[%cond3A_55, %mul3A_26] : memref<1x100000xf32, #tpu.memory_space<hbm>> -> memref<1x2000xf32, #tpu.memory_space<hbm>>
        %dma_start3A_428 = tpu.memref_squeeze %dma_start3A_427 : memref<1x2000xf32, #tpu.memory_space<hbm>> -> memref<2000xf32, #tpu.memory_space<hbm>>
        tpu.enqueue_dma source(%dma_start3A_428 : memref<2000xf32, #tpu.memory_space<hbm>>) target(%arg5 : memref<2000xf32, #tpu.memory_space<vmem>>) target_semaphore(%arg14 : memref<!tpu.dma_semaphore, #tpu.memory_space<semaphore_mem>>)
        %dma_start3A_429 = tpu.memref_slice %arg3[%mul3A_26] : memref<100000xi32, #tpu.memory_space<hbm>> -> memref<2000xi32, #tpu.memory_space<hbm>>
        %dma_start3A_430 = tpu.memref_slice %arg3[%mul3A_26] : memref<100000xi32, #tpu.memory_space<hbm>> -> memref<2000xi32, #tpu.memory_space<hbm>>
        tpu.enqueue_dma source(%dma_start3A_430 : memref<2000xi32, #tpu.memory_space<hbm>>) target(%arg7 : memref<2000xi32, #tpu.memory_space<vmem>>) target_semaphore(%arg14 : memref<!tpu.dma_semaphore, #tpu.memory_space<semaphore_mem>>)
      } else {
      }
    } else {
    }
    %lt3A_58 = arith.constant 1 : i32
    %lt3A_59 = arith.cmpi slt, %lt3A_58, %select_n3A_9 : i32
    %convert_element_type3A_60 = arith.extui %lt3A_59 : i1 to i32
    %cond3A_61 = arith.constant 0 : i32
    %cond3A_62 = arith.constant 0 : i32
    %cond3A_63 = arith.constant 0 : i32
    %cond3A_64 = arith.cmpi ne, %convert_element_type3A_60, %cond3A_63 : i32
    scf.if %cond3A_64 {
      %dma_wait3A = tpu.memref_slice %arg2[%cond3A_61, %mul3A_20] : memref<1x100000xf32, #tpu.memory_space<hbm>> -> memref<1x2000xf32, #tpu.memory_space<hbm>>
      %dma_wait3A_408 = tpu.memref_squeeze %dma_wait3A : memref<1x2000xf32, #tpu.memory_space<hbm>> -> memref<2000xf32, #tpu.memory_space<hbm>>
      %dma_wait3A_409 = tpu.memref_slice %arg2[%cond3A_61, %mul3A_20] : memref<1x100000xf32, #tpu.memory_space<hbm>> -> memref<1x2000xf32, #tpu.memory_space<hbm>>
      %dma_wait3A_410 = tpu.memref_squeeze %dma_wait3A_409 : memref<1x2000xf32, #tpu.memory_space<hbm>> -> memref<2000xf32, #tpu.memory_space<hbm>>
      tpu.wait_dma2 semaphore(%arg15 : memref<!tpu.dma_semaphore, #tpu.memory_space<semaphore_mem>>) src(%dma_wait3A_410 : memref<2000xf32, #tpu.memory_space<hbm>>) dst(%arg6 : memref<2000xf32, #tpu.memory_space<vmem>>)
      %dma_wait3A_411 = tpu.memref_slice %arg3[%mul3A_20] : memref<100000xi32, #tpu.memory_space<hbm>> -> memref<2000xi32, #tpu.memory_space<hbm>>
      %dma_wait3A_412 = tpu.memref_slice %arg3[%mul3A_20] : memref<100000xi32, #tpu.memory_space<hbm>> -> memref<2000xi32, #tpu.memory_space<hbm>>
      tpu.wait_dma2 semaphore(%arg15 : memref<!tpu.dma_semaphore, #tpu.memory_space<semaphore_mem>>) src(%dma_wait3A_412 : memref<2000xi32, #tpu.memory_space<hbm>>) dst(%arg8 : memref<2000xi32, #tpu.memory_space<vmem>>)
      %scan3A_413 = arith.constant 0 : i32
      %scan3A_414 = arith.constant 0 : i32
      %scan3A_415 = arith.constant 125 : i32
      %scan3A_416 = arith.addi %scan3A_414, %scan3A_415 : i32
      %scan3A_417 = arith.constant 1 : i32
      %scan3A_418 = scf.for %scan3A_425 = %scan3A_414 to %scan3A_416 step %scan3A_417 iter_args(%scan3A_426 = %scan3A_413) -> (i32)  : i32 {
        %mul3A_427 = arith.constant 16 : i32
        %mul3A_428 = arith.muli %scan3A_425, %mul3A_427 : i32
        %get3A_429 = arith.index_cast %mul3A_428 : i32 to index
        %get3A_430 = tpu.vector_load %arg6[%get3A_429] {strides = array<i32>} : memref<2000xf32, #tpu.memory_space<vmem>>, vector<16xf32>,
        %get3A_431 = arith.index_cast %mul3A_428 : i32 to index
        %get3A_432 = tpu.vector_load %arg8[%get3A_431] {strides = array<i32>} : memref<2000xi32, #tpu.memory_space<vmem>>, vector<16xi32>,
        tpu.vector_store_idx %arg9[%iota3A, %get3A_432], %get3A_430 {add = true} : memref<16x1024xf32, #tpu.memory_space<vmem>>[vector<16xi32>, vector<16xi32>], vector<16xf32>,
        %scan3A_433 = arith.constant 0 : i32
        scf.yield %scan3A_433 : i32
      }
      %scan3A_419 = arith.constant 125 : i32
      %lt3A_420 = arith.constant 3 : i32
      %lt3A_421 = arith.cmpi slt, %lt3A_420, %select_n3A_9 : i32
      %convert_element_type3A_422 = arith.extui %lt3A_421 : i1 to i32
      %cond3A_423 = arith.constant 0 : i32
      %cond3A_424 = arith.cmpi ne, %convert_element_type3A_422, %cond3A_423 : i32
      scf.if %cond3A_424 {
        %dma_start3A_425 = tpu.memref_slice %arg2[%cond3A_62, %mul3A_32] : memref<1x100000xf32, #tpu.memory_space<hbm>> -> memref<1x2000xf32, #tpu.memory_space<hbm>>
        %dma_start3A_426 = tpu.memref_squeeze %dma_start3A_425 : memref<1x2000xf32, #tpu.memory_space<hbm>> -> memref<2000xf32, #tpu.memory_space<hbm>>
        %dma_start3A_427 = tpu.memref_slice %arg2[%cond3A_62, %mul3A_32] : memref<1x100000xf32, #tpu.memory_space<hbm>> -> memref<1x2000xf32, #tpu.memory_space<hbm>>
        %dma_start3A_428 = tpu.memref_squeeze %dma_start3A_427 : memref<1x2000xf32, #tpu.memory_space<hbm>> -> memref<2000xf32, #tpu.memory_space<hbm>>
        tpu.enqueue_dma source(%dma_start3A_428 : memref<2000xf32, #tpu.memory_space<hbm>>) target(%arg6 : memref<2000xf32, #tpu.memory_space<vmem>>) target_semaphore(%arg15 : memref<!tpu.dma_semaphore, #tpu.memory_space<semaphore_mem>>)
        %dma_start3A_429 = tpu.memref_slice %arg3[%mul3A_32] : memref<100000xi32, #tpu.memory_space<hbm>> -> memref<2000xi32, #tpu.memory_space<hbm>>
        %dma_start3A_430 = tpu.memref_slice %arg3[%mul3A_32] : memref<100000xi32, #tpu.memory_space<hbm>> -> memref<2000xi32, #tpu.memory_space<hbm>>
        tpu.enqueue_dma source(%dma_start3A_430 : memref<2000xi32, #tpu.memory_space<hbm>>) target(%arg8 : memref<2000xi32, #tpu.memory_space<vmem>>) target_semaphore(%arg15 : memref<!tpu.dma_semaphore, #tpu.memory_space<semaphore_mem>>)
      } else {
      }
    } else {
    }
    %lt3A_65 = arith.constant 2 : i32
    %lt3A_66 = arith.cmpi slt, %lt3A_65, %select_n3A_9 : i32
    %convert_element_type3A_67 = arith.extui %lt3A_66 : i1 to i32
    %cond3A_68 = arith.constant 0 : i32
    %cond3A_69 = arith.constant 0 : i32
    %cond3A_70 = arith.cmpi ne, %convert_element_type3A_67, %cond3A_69 : i32
    scf.if %cond3A_70 {
      %dma_wait3A = tpu.memref_slice %arg2[%cond3A_68, %mul3A_26] : memref<1x100000xf32, #tpu.memory_space<hbm>> -> memref<1x2000xf32, #tpu.memory_space<hbm>>
      %dma_wait3A_408 = tpu.memref_squeeze %dma_wait3A : memref<1x2000xf32, #tpu.memory_space<hbm>> -> memref<2000xf32, #tpu.memory_space<hbm>>
      %dma_wait3A_409 = tpu.memref_slice %arg2[%cond3A_68, %mul3A_26] : memref<1x100000xf32, #tpu.memory_space<hbm>> -> memref<1x2000xf32, #tpu.memory_space<hbm>>
      %dma_wait3A_410 = tpu.memref_squeeze %dma_wait3A_409 : memref<1x2000xf32, #tpu.memory_space<hbm>> -> memref<2000xf32, #tpu.memory_space<hbm>>
      tpu.wait_dma2 semaphore(%arg14 : memref<!tpu.dma_semaphore, #tpu.memory_space<semaphore_mem>>) src(%dma_wait3A_410 : memref<2000xf32, #tpu.memory_space<hbm>>) dst(%arg5 : memref<2000xf32, #tpu.memory_space<vmem>>)
      %dma_wait3A_411 = tpu.memref_slice %arg3[%mul3A_26] : memref<100000xi32, #tpu.memory_space<hbm>> -> memref<2000xi32, #tpu.memory_space<hbm>>
      %dma_wait3A_412 = tpu.memref_slice %arg3[%mul3A_26] : memref<100000xi32, #tpu.memory_space<hbm>> -> memref<2000xi32, #tpu.memory_space<hbm>>
      tpu.wait_dma2 semaphore(%arg14 : memref<!tpu.dma_semaphore, #tpu.memory_space<semaphore_mem>>) src(%dma_wait3A_412 : memref<2000xi32, #tpu.memory_space<hbm>>) dst(%arg7 : memref<2000xi32, #tpu.memory_space<vmem>>)
      %scan3A_413 = arith.constant 0 : i32
      %scan3A_414 = arith.constant 0 : i32
      %scan3A_415 = arith.constant 125 : i32
      %scan3A_416 = arith.addi %scan3A_414, %scan3A_415 : i32
      %scan3A_417 = arith.constant 1 : i32
      %scan3A_418 = scf.for %scan3A_420 = %scan3A_414 to %scan3A_416 step %scan3A_417 iter_args(%scan3A_421 = %scan3A_413) -> (i32)  : i32 {
        %mul3A_422 = arith.constant 16 : i32
        %mul3A_423 = arith.muli %scan3A_420, %mul3A_422 : i32
        %get3A_424 = arith.index_cast %mul3A_423 : i32 to index
        %get3A_425 = tpu.vector_load %arg5[%get3A_424] {strides = array<i32>} : memref<2000xf32, #tpu.memory_space<vmem>>, vector<16xf32>,
        %get3A_426 = arith.index_cast %mul3A_423 : i32 to index
        %get3A_427 = tpu.vector_load %arg7[%get3A_426] {strides = array<i32>} : memref<2000xi32, #tpu.memory_space<vmem>>, vector<16xi32>,
        tpu.vector_store_idx %arg9[%iota3A, %get3A_427], %get3A_425 {add = true} : memref<16x1024xf32, #tpu.memory_space<vmem>>[vector<16xi32>, vector<16xi32>], vector<16xf32>,
        %scan3A_428 = arith.constant 0 : i32
        scf.yield %scan3A_428 : i32
      }
      %scan3A_419 = arith.constant 125 : i32
    } else {
    }
    %lt3A_71 = arith.constant 3 : i32
    %lt3A_72 = arith.cmpi slt, %lt3A_71, %select_n3A_9 : i32
    %convert_element_type3A_73 = arith.extui %lt3A_72 : i1 to i32
    %cond3A_74 = arith.constant 0 : i32
    %cond3A_75 = arith.constant 0 : i32
    %cond3A_76 = arith.cmpi ne, %convert_element_type3A_73, %cond3A_75 : i32
    scf.if %cond3A_76 {
      %dma_wait3A = tpu.memref_slice %arg2[%cond3A_74, %mul3A_32] : memref<1x100000xf32, #tpu.memory_space<hbm>> -> memref<1x2000xf32, #tpu.memory_space<hbm>>
      %dma_wait3A_408 = tpu.memref_squeeze %dma_wait3A : memref<1x2000xf32, #tpu.memory_space<hbm>> -> memref<2000xf32, #tpu.memory_space<hbm>>
      %dma_wait3A_409 = tpu.memref_slice %arg2[%cond3A_74, %mul3A_32] : memref<1x100000xf32, #tpu.memory_space<hbm>> -> memref<1x2000xf32, #tpu.memory_space<hbm>>
      %dma_wait3A_410 = tpu.memref_squeeze %dma_wait3A_409 : memref<1x2000xf32, #tpu.memory_space<hbm>> -> memref<2000xf32, #tpu.memory_space<hbm>>
      tpu.wait_dma2 semaphore(%arg15 : memref<!tpu.dma_semaphore, #tpu.memory_space<semaphore_mem>>) src(%dma_wait3A_410 : memref<2000xf32, #tpu.memory_space<hbm>>) dst(%arg6 : memref<2000xf32, #tpu.memory_space<vmem>>)
      %dma_wait3A_411 = tpu.memref_slice %arg3[%mul3A_32] : memref<100000xi32, #tpu.memory_space<hbm>> -> memref<2000xi32, #tpu.memory_space<hbm>>
      %dma_wait3A_412 = tpu.memref_slice %arg3[%mul3A_32] : memref<100000xi32, #tpu.memory_space<hbm>> -> memref<2000xi32, #tpu.memory_space<hbm>>
      tpu.wait_dma2 semaphore(%arg15 : memref<!tpu.dma_semaphore, #tpu.memory_space<semaphore_mem>>) src(%dma_wait3A_412 : memref<2000xi32, #tpu.memory_space<hbm>>) dst(%arg8 : memref<2000xi32, #tpu.memory_space<vmem>>)
      %scan3A_413 = arith.constant 0 : i32
      %scan3A_414 = arith.constant 0 : i32
      %scan3A_415 = arith.constant 125 : i32
      %scan3A_416 = arith.addi %scan3A_414, %scan3A_415 : i32
      %scan3A_417 = arith.constant 1 : i32
      %scan3A_418 = scf.for %scan3A_420 = %scan3A_414 to %scan3A_416 step %scan3A_417 iter_args(%scan3A_421 = %scan3A_413) -> (i32)  : i32 {
        %mul3A_422 = arith.constant 16 : i32
        %mul3A_423 = arith.muli %scan3A_420, %mul3A_422 : i32
        %get3A_424 = arith.index_cast %mul3A_423 : i32 to index
        %get3A_425 = tpu.vector_load %arg6[%get3A_424] {strides = array<i32>} : memref<2000xf32, #tpu.memory_space<vmem>>, vector<16xf32>,
        %get3A_426 = arith.index_cast %mul3A_423 : i32 to index
        %get3A_427 = tpu.vector_load %arg8[%get3A_426] {strides = array<i32>} : memref<2000xi32, #tpu.memory_space<vmem>>, vector<16xi32>,
        tpu.vector_store_idx %arg9[%iota3A, %get3A_427], %get3A_425 {add = true} : memref<16x1024xf32, #tpu.memory_space<vmem>>[vector<16xi32>, vector<16xi32>], vector<16xf32>,
        %scan3A_428 = arith.constant 0 : i32
        scf.yield %scan3A_428 : i32
      }
      %scan3A_419 = arith.constant 125 : i32
    } else {
    }
    %scan3A_77 = arith.constant 0 : i32
    %scan3A_78 = arith.constant 0 : i32
    %scan3A_79 = arith.constant 64 : i32
    %scan3A_80 = arith.addi %scan3A_78, %scan3A_79 : i32
    %scan3A_81 = arith.constant 1 : i32
    %scan3A_82 = scf.for %scan3A_408 = %scan3A_78 to %scan3A_80 step %scan3A_81 iter_args(%scan3A_409 = %scan3A_77) -> (i32)  : i32 {
      %mul3A_410 = arith.constant 16 : i32
      %mul3A_411 = arith.muli %scan3A_408, %mul3A_410 : i32
      %get3A_412 = arith.constant 0 : i32
      %get3A_413 = arith.index_cast %get3A_412 : i32 to index
      %get3A_414 = arith.index_cast %mul3A_411 : i32 to index
      %get3A_415 = tpu.vector_load %arg9[%get3A_413, %get3A_414] {strides = array<i32>} : memref<16x1024xf32, #tpu.memory_space<vmem>>, vector<16xf32>,
      %get3A_416 = arith.constant 1 : i32
      %get3A_417 = arith.index_cast %get3A_416 : i32 to index
      %get3A_418 = arith.index_cast %mul3A_411 : i32 to index
      %get3A_419 = tpu.vector_load %arg9[%get3A_417, %get3A_418] {strides = array<i32>} : memref<16x1024xf32, #tpu.memory_space<vmem>>, vector<16xf32>,
      %add3A_420 = arith.addf %get3A_415, %get3A_419 : vector<16xf32>
      %get3A_421 = arith.constant 2 : i32
      %get3A_422 = arith.index_cast %get3A_421 : i32 to index
      %get3A_423 = arith.index_cast %mul3A_411 : i32 to index
      %get3A_424 = tpu.vector_load %arg9[%get3A_422, %get3A_423] {strides = array<i32>} : memref<16x1024xf32, #tpu.memory_space<vmem>>, vector<16xf32>,
      %add3A_425 = arith.addf %add3A_420, %get3A_424 : vector<16xf32>
      %get3A_426 = arith.constant 3 : i32
      %get3A_427 = arith.index_cast %get3A_426 : i32 to index
      %get3A_428 = arith.index_cast %mul3A_411 : i32 to index
      %get3A_429 = tpu.vector_load %arg9[%get3A_427, %get3A_428] {strides = array<i32>} : memref<16x1024xf32, #tpu.memory_space<vmem>>, vector<16xf32>,
      %add3A_430 = arith.addf %add3A_425, %get3A_429 : vector<16xf32>
      %get3A_431 = arith.constant 4 : i32
      %get3A_432 = arith.index_cast %get3A_431 : i32 to index
      %get3A_433 = arith.index_cast %mul3A_411 : i32 to index
      %get3A_434 = tpu.vector_load %arg9[%get3A_432, %get3A_433] {strides = array<i32>} : memref<16x1024xf32, #tpu.memory_space<vmem>>, vector<16xf32>,
      %add3A_435 = arith.addf %add3A_430, %get3A_434 : vector<16xf32>
      %get3A_436 = arith.constant 5 : i32
      %get3A_437 = arith.index_cast %get3A_436 : i32 to index
      %get3A_438 = arith.index_cast %mul3A_411 : i32 to index
      %get3A_439 = tpu.vector_load %arg9[%get3A_437, %get3A_438] {strides = array<i32>} : memref<16x1024xf32, #tpu.memory_space<vmem>>, vector<16xf32>,
      %add3A_440 = arith.addf %add3A_435, %get3A_439 : vector<16xf32>
      %get3A_441 = arith.constant 6 : i32
      %get3A_442 = arith.index_cast %get3A_441 : i32 to index
      %get3A_443 = arith.index_cast %mul3A_411 : i32 to index
      %get3A_444 = tpu.vector_load %arg9[%get3A_442, %get3A_443] {strides = array<i32>} : memref<16x1024xf32, #tpu.memory_space<vmem>>, vector<16xf32>,
      %add3A_445 = arith.addf %add3A_440, %get3A_444 : vector<16xf32>
      %get3A_446 = arith.constant 7 : i32
      %get3A_447 = arith.index_cast %get3A_446 : i32 to index
      %get3A_448 = arith.index_cast %mul3A_411 : i32 to index
      %get3A_449 = tpu.vector_load %arg9[%get3A_447, %get3A_448] {strides = array<i32>} : memref<16x1024xf32, #tpu.memory_space<vmem>>, vector<16xf32>,
      %add3A_450 = arith.addf %add3A_445, %get3A_449 : vector<16xf32>
      %get3A_451 = arith.constant 8 : i32
      %get3A_452 = arith.index_cast %get3A_451 : i32 to index
      %get3A_453 = arith.index_cast %mul3A_411 : i32 to index
      %get3A_454 = tpu.vector_load %arg9[%get3A_452, %get3A_453] {strides = array<i32>} : memref<16x1024xf32, #tpu.memory_space<vmem>>, vector<16xf32>,
      %add3A_455 = arith.addf %add3A_450, %get3A_454 : vector<16xf32>
      %get3A_456 = arith.constant 9 : i32
      %get3A_457 = arith.index_cast %get3A_456 : i32 to index
      %get3A_458 = arith.index_cast %mul3A_411 : i32 to index
      %get3A_459 = tpu.vector_load %arg9[%get3A_457, %get3A_458] {strides = array<i32>} : memref<16x1024xf32, #tpu.memory_space<vmem>>, vector<16xf32>,
      %add3A_460 = arith.addf %add3A_455, %get3A_459 : vector<16xf32>
      %get3A_461 = arith.constant 10 : i32
      %get3A_462 = arith.index_cast %get3A_461 : i32 to index
      %get3A_463 = arith.index_cast %mul3A_411 : i32 to index
      %get3A_464 = tpu.vector_load %arg9[%get3A_462, %get3A_463] {strides = array<i32>} : memref<16x1024xf32, #tpu.memory_space<vmem>>, vector<16xf32>,
      %add3A_465 = arith.addf %add3A_460, %get3A_464 : vector<16xf32>
      %get3A_466 = arith.constant 11 : i32
      %get3A_467 = arith.index_cast %get3A_466 : i32 to index
      %get3A_468 = arith.index_cast %mul3A_411 : i32 to index
      %get3A_469 = tpu.vector_load %arg9[%get3A_467, %get3A_468] {strides = array<i32>} : memref<16x1024xf32, #tpu.memory_space<vmem>>, vector<16xf32>,
      %add3A_470 = arith.addf %add3A_465, %get3A_469 : vector<16xf32>
      %get3A_471 = arith.constant 12 : i32
      %get3A_472 = arith.index_cast %get3A_471 : i32 to index
      %get3A_473 = arith.index_cast %mul3A_411 : i32 to index
      %get3A_474 = tpu.vector_load %arg9[%get3A_472, %get3A_473] {strides = array<i32>} : memref<16x1024xf32, #tpu.memory_space<vmem>>, vector<16xf32>,
      %add3A_475 = arith.addf %add3A_470, %get3A_474 : vector<16xf32>
      %get3A_476 = arith.constant 13 : i32
      %get3A_477 = arith.index_cast %get3A_476 : i32 to index
      %get3A_478 = arith.index_cast %mul3A_411 : i32 to index
      %get3A_479 = tpu.vector_load %arg9[%get3A_477, %get3A_478] {strides = array<i32>} : memref<16x1024xf32, #tpu.memory_space<vmem>>, vector<16xf32>,
      %add3A_480 = arith.addf %add3A_475, %get3A_479 : vector<16xf32>
      %get3A_481 = arith.constant 14 : i32
      %get3A_482 = arith.index_cast %get3A_481 : i32 to index
      %get3A_483 = arith.index_cast %mul3A_411 : i32 to index
      %get3A_484 = tpu.vector_load %arg9[%get3A_482, %get3A_483] {strides = array<i32>} : memref<16x1024xf32, #tpu.memory_space<vmem>>, vector<16xf32>,
      %add3A_485 = arith.addf %add3A_480, %get3A_484 : vector<16xf32>
      %get3A_486 = arith.constant 15 : i32
      %get3A_487 = arith.index_cast %get3A_486 : i32 to index
      %get3A_488 = arith.index_cast %mul3A_411 : i32 to index
      %get3A_489 = tpu.vector_load %arg9[%get3A_487, %get3A_488] {strides = array<i32>} : memref<16x1024xf32, #tpu.memory_space<vmem>>, vector<16xf32>,
      %add3A_490 = arith.addf %add3A_485, %get3A_489 : vector<16xf32>
      %swap3A_491 = arith.index_cast %mul3A_411 : i32 to index
      %swap3A_492 = tpu.vector_load %arg10[%swap3A_491] {strides = array<i32>} : memref<1024xf32, #tpu.memory_space<vmem>>, vector<16xf32>,
      tpu.vector_store %arg10[%swap3A_491], %add3A_490 {strides = array<i32>} : memref<1024xf32, #tpu.memory_space<vmem>>, vector<16xf32>,
      %scan3A_493 = arith.constant 0 : i32
      scf.yield %scan3A_493 : i32
    }
    %scan3A_83 = arith.constant 64 : i32
    "tpu.region"() ({
      %run_scoped3A = tpu.sem_alloc : memref<!tpu.dma_semaphore, #tpu.memory_space<semaphore_mem>>
      %dma_start3A_408 = arith.constant 0 : i32
      %dma_start3A_409 = tpu.memref_slice %arg13[%arg1, %dma_start3A_408] : memref<16x1024xf32, #tpu.memory_space<vmem_shared>> -> memref<1x1024xf32, #tpu.memory_space<vmem_shared>>
      %dma_start3A_410 = tpu.memref_squeeze %dma_start3A_409 : memref<1x1024xf32, #tpu.memory_space<vmem_shared>> -> memref<1024xf32, #tpu.memory_space<vmem_shared>>
      %dma_start3A_411 = arith.constant 0 : i32
      %dma_start3A_412 = tpu.memref_slice %arg13[%arg1, %dma_start3A_411] : memref<16x1024xf32, #tpu.memory_space<vmem_shared>> -> memref<1x1024xf32, #tpu.memory_space<vmem_shared>>
      %dma_start3A_413 = tpu.memref_squeeze %dma_start3A_412 : memref<1x1024xf32, #tpu.memory_space<vmem_shared>> -> memref<1024xf32, #tpu.memory_space<vmem_shared>>
      tpu.enqueue_dma source(%arg10 : memref<1024xf32, #tpu.memory_space<vmem>>) target(%dma_start3A_413 : memref<1024xf32, #tpu.memory_space<vmem_shared>>) target_semaphore(%run_scoped3A : memref<!tpu.dma_semaphore, #tpu.memory_space<semaphore_mem>>)
      %dma_wait3A = arith.constant 0 : i32
      %dma_wait3A_414 = tpu.memref_slice %arg13[%arg1, %dma_wait3A] : memref<16x1024xf32, #tpu.memory_space<vmem_shared>> -> memref<1x1024xf32, #tpu.memory_space<vmem_shared>>
      %dma_wait3A_415 = tpu.memref_squeeze %dma_wait3A_414 : memref<1x1024xf32, #tpu.memory_space<vmem_shared>> -> memref<1024xf32, #tpu.memory_space<vmem_shared>>
      %dma_wait3A_416 = arith.constant 0 : i32
      %dma_wait3A_417 = tpu.memref_slice %arg13[%arg1, %dma_wait3A_416] : memref<16x1024xf32, #tpu.memory_space<vmem_shared>> -> memref<1x1024xf32, #tpu.memory_space<vmem_shared>>
      %dma_wait3A_418 = tpu.memref_squeeze %dma_wait3A_417 : memref<1x1024xf32, #tpu.memory_space<vmem_shared>> -> memref<1024xf32, #tpu.memory_space<vmem_shared>>
      tpu.wait_dma2 semaphore(%run_scoped3A : memref<!tpu.dma_semaphore, #tpu.memory_space<semaphore_mem>>) src(%arg10 : memref<1024xf32, #tpu.memory_space<vmem>>) dst(%dma_wait3A_418 : memref<1024xf32, #tpu.memory_space<vmem_shared>>)
      tpu.yield
    }) : () -> ()
    %barrier3A = arith.constant 0 : index
    tpu.barrier barrier_id(%barrier3A)
    %mul3A_84 = arith.constant 64 : i32
    %mul3A_85 = arith.muli %arg1, %mul3A_84 : i32
    "tpu.region"() ({
      %run_scoped3A = tpu.sem_alloc : memref<!tpu.dma_semaphore, #tpu.memory_space<semaphore_mem>>
      %dma_start3A_408 = arith.constant 0 : i32
      %dma_start3A_409 = tpu.memref_slice %arg13[%dma_start3A_408, %mul3A_85] : memref<16x1024xf32, #tpu.memory_space<vmem_shared>> -> memref<16x64xf32, #tpu.memory_space<vmem_shared>>
      %dma_start3A_410 = arith.constant 0 : i32
      %dma_start3A_411 = tpu.memref_slice %arg13[%dma_start3A_410, %mul3A_85] : memref<16x1024xf32, #tpu.memory_space<vmem_shared>> -> memref<16x64xf32, #tpu.memory_space<vmem_shared>>
      tpu.enqueue_dma source(%dma_start3A_411 : memref<16x64xf32, #tpu.memory_space<vmem_shared>>) target(%arg11 : memref<16x64xf32, #tpu.memory_space<vmem>>) target_semaphore(%run_scoped3A : memref<!tpu.dma_semaphore, #tpu.memory_space<semaphore_mem>>)
      %dma_wait3A = arith.constant 0 : i32
      %dma_wait3A_412 = tpu.memref_slice %arg13[%dma_wait3A, %mul3A_85] : memref<16x1024xf32, #tpu.memory_space<vmem_shared>> -> memref<16x64xf32, #tpu.memory_space<vmem_shared>>
      %dma_wait3A_413 = arith.constant 0 : i32
      %dma_wait3A_414 = tpu.memref_slice %arg13[%dma_wait3A_413, %mul3A_85] : memref<16x1024xf32, #tpu.memory_space<vmem_shared>> -> memref<16x64xf32, #tpu.memory_space<vmem_shared>>
      tpu.wait_dma2 semaphore(%run_scoped3A : memref<!tpu.dma_semaphore, #tpu.memory_space<semaphore_mem>>) src(%dma_wait3A_414 : memref<16x64xf32, #tpu.memory_space<vmem_shared>>) dst(%arg11 : memref<16x64xf32, #tpu.memory_space<vmem>>)
      tpu.yield
    }) : () -> ()
    %get3A = arith.constant 0 : i32
    %get3A_86 = arith.index_cast %get3A : i32 to index
    %get3A_87 = arith.constant 0 : index
    %get3A_88 = tpu.vector_load %arg11[%get3A_86, %get3A_87] {strides = array<i32>} : memref<16x64xf32, #tpu.memory_space<vmem>>, vector<16xf32>,
    %get3A_89 = arith.constant 1 : i32
    %get3A_90 = arith.index_cast %get3A_89 : i32 to index
    %get3A_91 = arith.constant 0 : index
    %get3A_92 = tpu.vector_load %arg11[%get3A_90, %get3A_91] {strides = array<i32>} : memref<16x64xf32, #tpu.memory_space<vmem>>, vector<16xf32>,
    %add3A_93 = arith.addf %get3A_88, %get3A_92 : vector<16xf32>
    %get3A_94 = arith.constant 2 : i32
    %get3A_95 = arith.index_cast %get3A_94 : i32 to index
    %get3A_96 = arith.constant 0 : index
    %get3A_97 = tpu.vector_load %arg11[%get3A_95, %get3A_96] {strides = array<i32>} : memref<16x64xf32, #tpu.memory_space<vmem>>, vector<16xf32>,
    %add3A_98 = arith.addf %add3A_93, %get3A_97 : vector<16xf32>
    %get3A_99 = arith.constant 3 : i32
    %get3A_100 = arith.index_cast %get3A_99 : i32 to index
    %get3A_101 = arith.constant 0 : index
    %get3A_102 = tpu.vector_load %arg11[%get3A_100, %get3A_101] {strides = array<i32>} : memref<16x64xf32, #tpu.memory_space<vmem>>, vector<16xf32>,
    %add3A_103 = arith.addf %add3A_98, %get3A_102 : vector<16xf32>
    %get3A_104 = arith.constant 4 : i32
    %get3A_105 = arith.index_cast %get3A_104 : i32 to index
    %get3A_106 = arith.constant 0 : index
    %get3A_107 = tpu.vector_load %arg11[%get3A_105, %get3A_106] {strides = array<i32>} : memref<16x64xf32, #tpu.memory_space<vmem>>, vector<16xf32>,
    %add3A_108 = arith.addf %add3A_103, %get3A_107 : vector<16xf32>
    %get3A_109 = arith.constant 5 : i32
    %get3A_110 = arith.index_cast %get3A_109 : i32 to index
    %get3A_111 = arith.constant 0 : index
    %get3A_112 = tpu.vector_load %arg11[%get3A_110, %get3A_111] {strides = array<i32>} : memref<16x64xf32, #tpu.memory_space<vmem>>, vector<16xf32>,
    %add3A_113 = arith.addf %add3A_108, %get3A_112 : vector<16xf32>
    %get3A_114 = arith.constant 6 : i32
    %get3A_115 = arith.index_cast %get3A_114 : i32 to index
    %get3A_116 = arith.constant 0 : index
    %get3A_117 = tpu.vector_load %arg11[%get3A_115, %get3A_116] {strides = array<i32>} : memref<16x64xf32, #tpu.memory_space<vmem>>, vector<16xf32>,
    %add3A_118 = arith.addf %add3A_113, %get3A_117 : vector<16xf32>
    %get3A_119 = arith.constant 7 : i32
    %get3A_120 = arith.index_cast %get3A_119 : i32 to index
    %get3A_121 = arith.constant 0 : index
    %get3A_122 = tpu.vector_load %arg11[%get3A_120, %get3A_121] {strides = array<i32>} : memref<16x64xf32, #tpu.memory_space<vmem>>, vector<16xf32>,
    %add3A_123 = arith.addf %add3A_118, %get3A_122 : vector<16xf32>
    %get3A_124 = arith.constant 8 : i32
    %get3A_125 = arith.index_cast %get3A_124 : i32 to index
    %get3A_126 = arith.constant 0 : index
    %get3A_127 = tpu.vector_load %arg11[%get3A_125, %get3A_126] {strides = array<i32>} : memref<16x64xf32, #tpu.memory_space<vmem>>, vector<16xf32>,
    %add3A_128 = arith.addf %add3A_123, %get3A_127 : vector<16xf32>
    %get3A_129 = arith.constant 9 : i32
    %get3A_130 = arith.index_cast %get3A_129 : i32 to index
    %get3A_131 = arith.constant 0 : index
    %get3A_132 = tpu.vector_load %arg11[%get3A_130, %get3A_131] {strides = array<i32>} : memref<16x64xf32, #tpu.memory_space<vmem>>, vector<16xf32>,
    %add3A_133 = arith.addf %add3A_128, %get3A_132 : vector<16xf32>
    %get3A_134 = arith.constant 10 : i32
    %get3A_135 = arith.index_cast %get3A_134 : i32 to index
    %get3A_136 = arith.constant 0 : index
    %get3A_137 = tpu.vector_load %arg11[%get3A_135, %get3A_136] {strides = array<i32>} : memref<16x64xf32, #tpu.memory_space<vmem>>, vector<16xf32>,
    %add3A_138 = arith.addf %add3A_133, %get3A_137 : vector<16xf32>
    %get3A_139 = arith.constant 11 : i32
    %get3A_140 = arith.index_cast %get3A_139 : i32 to index
    %get3A_141 = arith.constant 0 : index
    %get3A_142 = tpu.vector_load %arg11[%get3A_140, %get3A_141] {strides = array<i32>} : memref<16x64xf32, #tpu.memory_space<vmem>>, vector<16xf32>,
    %add3A_143 = arith.addf %add3A_138, %get3A_142 : vector<16xf32>
    %get3A_144 = arith.constant 12 : i32
    %get3A_145 = arith.index_cast %get3A_144 : i32 to index
    %get3A_146 = arith.constant 0 : index
    %get3A_147 = tpu.vector_load %arg11[%get3A_145, %get3A_146] {strides = array<i32>} : memref<16x64xf32, #tpu.memory_space<vmem>>, vector<16xf32>,
    %add3A_148 = arith.addf %add3A_143, %get3A_147 : vector<16xf32>
    %get3A_149 = arith.constant 13 : i32
    %get3A_150 = arith.index_cast %get3A_149 : i32 to index
    %get3A_151 = arith.constant 0 : index
    %get3A_152 = tpu.vector_load %arg11[%get3A_150, %get3A_151] {strides = array<i32>} : memref<16x64xf32, #tpu.memory_space<vmem>>, vector<16xf32>,
    %add3A_153 = arith.addf %add3A_148, %get3A_152 : vector<16xf32>
    %get3A_154 = arith.constant 14 : i32
    %get3A_155 = arith.index_cast %get3A_154 : i32 to index
    %get3A_156 = arith.constant 0 : index
    %get3A_157 = tpu.vector_load %arg11[%get3A_155, %get3A_156] {strides = array<i32>} : memref<16x64xf32, #tpu.memory_space<vmem>>, vector<16xf32>,
    %add3A_158 = arith.addf %add3A_153, %get3A_157 : vector<16xf32>
    %get3A_159 = arith.constant 15 : i32
    %get3A_160 = arith.index_cast %get3A_159 : i32 to index
    %get3A_161 = arith.constant 0 : index
    %get3A_162 = tpu.vector_load %arg11[%get3A_160, %get3A_161] {strides = array<i32>} : memref<16x64xf32, #tpu.memory_space<vmem>>, vector<16xf32>,
    %add3A_163 = arith.addf %add3A_158, %get3A_162 : vector<16xf32>
    %swap3A = arith.constant 0 : index
    %swap3A_164 = tpu.vector_load %arg12[%swap3A] {strides = array<i32>} : memref<64xf32, #tpu.memory_space<vmem>>, vector<16xf32>,
    tpu.vector_store %arg12[%swap3A], %add3A_163 {strides = array<i32>} : memref<64xf32, #tpu.memory_space<vmem>>, vector<16xf32>,
    %get3A_165 = arith.constant 0 : i32
    %get3A_166 = arith.index_cast %get3A_165 : i32 to index
    %get3A_167 = arith.constant 16 : index
    %get3A_168 = tpu.vector_load %arg11[%get3A_166, %get3A_167] {strides = array<i32>} : memref<16x64xf32, #tpu.memory_space<vmem>>, vector<16xf32>,
    %get3A_169 = arith.constant 1 : i32
    %get3A_170 = arith.index_cast %get3A_169 : i32 to index
    %get3A_171 = arith.constant 16 : index
    %get3A_172 = tpu.vector_load %arg11[%get3A_170, %get3A_171] {strides = array<i32>} : memref<16x64xf32, #tpu.memory_space<vmem>>, vector<16xf32>,
    %add3A_173 = arith.addf %get3A_168, %get3A_172 : vector<16xf32>
    %get3A_174 = arith.constant 2 : i32
    %get3A_175 = arith.index_cast %get3A_174 : i32 to index
    %get3A_176 = arith.constant 16 : index
    %get3A_177 = tpu.vector_load %arg11[%get3A_175, %get3A_176] {strides = array<i32>} : memref<16x64xf32, #tpu.memory_space<vmem>>, vector<16xf32>,
    %add3A_178 = arith.addf %add3A_173, %get3A_177 : vector<16xf32>
    %get3A_179 = arith.constant 3 : i32
    %get3A_180 = arith.index_cast %get3A_179 : i32 to index
    %get3A_181 = arith.constant 16 : index
    %get3A_182 = tpu.vector_load %arg11[%get3A_180, %get3A_181] {strides = array<i32>} : memref<16x64xf32, #tpu.memory_space<vmem>>, vector<16xf32>,
    %add3A_183 = arith.addf %add3A_178, %get3A_182 : vector<16xf32>
    %get3A_184 = arith.constant 4 : i32
    %get3A_185 = arith.index_cast %get3A_184 : i32 to index
    %get3A_186 = arith.constant 16 : index
    %get3A_187 = tpu.vector_load %arg11[%get3A_185, %get3A_186] {strides = array<i32>} : memref<16x64xf32, #tpu.memory_space<vmem>>, vector<16xf32>,
    %add3A_188 = arith.addf %add3A_183, %get3A_187 : vector<16xf32>
    %get3A_189 = arith.constant 5 : i32
    %get3A_190 = arith.index_cast %get3A_189 : i32 to index
    %get3A_191 = arith.constant 16 : index
    %get3A_192 = tpu.vector_load %arg11[%get3A_190, %get3A_191] {strides = array<i32>} : memref<16x64xf32, #tpu.memory_space<vmem>>, vector<16xf32>,
    %add3A_193 = arith.addf %add3A_188, %get3A_192 : vector<16xf32>
    %get3A_194 = arith.constant 6 : i32
    %get3A_195 = arith.index_cast %get3A_194 : i32 to index
    %get3A_196 = arith.constant 16 : index
    %get3A_197 = tpu.vector_load %arg11[%get3A_195, %get3A_196] {strides = array<i32>} : memref<16x64xf32, #tpu.memory_space<vmem>>, vector<16xf32>,
    %add3A_198 = arith.addf %add3A_193, %get3A_197 : vector<16xf32>
    %get3A_199 = arith.constant 7 : i32
    %get3A_200 = arith.index_cast %get3A_199 : i32 to index
    %get3A_201 = arith.constant 16 : index
    %get3A_202 = tpu.vector_load %arg11[%get3A_200, %get3A_201] {strides = array<i32>} : memref<16x64xf32, #tpu.memory_space<vmem>>, vector<16xf32>,
    %add3A_203 = arith.addf %add3A_198, %get3A_202 : vector<16xf32>
    %get3A_204 = arith.constant 8 : i32
    %get3A_205 = arith.index_cast %get3A_204 : i32 to index
    %get3A_206 = arith.constant 16 : index
    %get3A_207 = tpu.vector_load %arg11[%get3A_205, %get3A_206] {strides = array<i32>} : memref<16x64xf32, #tpu.memory_space<vmem>>, vector<16xf32>,
    %add3A_208 = arith.addf %add3A_203, %get3A_207 : vector<16xf32>
    %get3A_209 = arith.constant 9 : i32
    %get3A_210 = arith.index_cast %get3A_209 : i32 to index
    %get3A_211 = arith.constant 16 : index
    %get3A_212 = tpu.vector_load %arg11[%get3A_210, %get3A_211] {strides = array<i32>} : memref<16x64xf32, #tpu.memory_space<vmem>>, vector<16xf32>,
    %add3A_213 = arith.addf %add3A_208, %get3A_212 : vector<16xf32>
    %get3A_214 = arith.constant 10 : i32
    %get3A_215 = arith.index_cast %get3A_214 : i32 to index
    %get3A_216 = arith.constant 16 : index
    %get3A_217 = tpu.vector_load %arg11[%get3A_215, %get3A_216] {strides = array<i32>} : memref<16x64xf32, #tpu.memory_space<vmem>>, vector<16xf32>,
    %add3A_218 = arith.addf %add3A_213, %get3A_217 : vector<16xf32>
    %get3A_219 = arith.constant 11 : i32
    %get3A_220 = arith.index_cast %get3A_219 : i32 to index
    %get3A_221 = arith.constant 16 : index
    %get3A_222 = tpu.vector_load %arg11[%get3A_220, %get3A_221] {strides = array<i32>} : memref<16x64xf32, #tpu.memory_space<vmem>>, vector<16xf32>,
    %add3A_223 = arith.addf %add3A_218, %get3A_222 : vector<16xf32>
    %get3A_224 = arith.constant 12 : i32
    %get3A_225 = arith.index_cast %get3A_224 : i32 to index
    %get3A_226 = arith.constant 16 : index
    %get3A_227 = tpu.vector_load %arg11[%get3A_225, %get3A_226] {strides = array<i32>} : memref<16x64xf32, #tpu.memory_space<vmem>>, vector<16xf32>,
    %add3A_228 = arith.addf %add3A_223, %get3A_227 : vector<16xf32>
    %get3A_229 = arith.constant 13 : i32
    %get3A_230 = arith.index_cast %get3A_229 : i32 to index
    %get3A_231 = arith.constant 16 : index
    %get3A_232 = tpu.vector_load %arg11[%get3A_230, %get3A_231] {strides = array<i32>} : memref<16x64xf32, #tpu.memory_space<vmem>>, vector<16xf32>,
    %add3A_233 = arith.addf %add3A_228, %get3A_232 : vector<16xf32>
    %get3A_234 = arith.constant 14 : i32
    %get3A_235 = arith.index_cast %get3A_234 : i32 to index
    %get3A_236 = arith.constant 16 : index
    %get3A_237 = tpu.vector_load %arg11[%get3A_235, %get3A_236] {strides = array<i32>} : memref<16x64xf32, #tpu.memory_space<vmem>>, vector<16xf32>,
    %add3A_238 = arith.addf %add3A_233, %get3A_237 : vector<16xf32>
    %get3A_239 = arith.constant 15 : i32
    %get3A_240 = arith.index_cast %get3A_239 : i32 to index
    %get3A_241 = arith.constant 16 : index
    %get3A_242 = tpu.vector_load %arg11[%get3A_240, %get3A_241] {strides = array<i32>} : memref<16x64xf32, #tpu.memory_space<vmem>>, vector<16xf32>,
    %add3A_243 = arith.addf %add3A_238, %get3A_242 : vector<16xf32>
    %swap3A_244 = arith.constant 16 : index
    %swap3A_245 = tpu.vector_load %arg12[%swap3A_244] {strides = array<i32>} : memref<64xf32, #tpu.memory_space<vmem>>, vector<16xf32>,
    tpu.vector_store %arg12[%swap3A_244], %add3A_243 {strides = array<i32>} : memref<64xf32, #tpu.memory_space<vmem>>, vector<16xf32>,
    %get3A_246 = arith.constant 0 : i32
    %get3A_247 = arith.index_cast %get3A_246 : i32 to index
    %get3A_248 = arith.constant 32 : index
    %get3A_249 = tpu.vector_load %arg11[%get3A_247, %get3A_248] {strides = array<i32>} : memref<16x64xf32, #tpu.memory_space<vmem>>, vector<16xf32>,
    %get3A_250 = arith.constant 1 : i32
    %get3A_251 = arith.index_cast %get3A_250 : i32 to index
    %get3A_252 = arith.constant 32 : index
    %get3A_253 = tpu.vector_load %arg11[%get3A_251, %get3A_252] {strides = array<i32>} : memref<16x64xf32, #tpu.memory_space<vmem>>, vector<16xf32>,
    %add3A_254 = arith.addf %get3A_249, %get3A_253 : vector<16xf32>
    %get3A_255 = arith.constant 2 : i32
    %get3A_256 = arith.index_cast %get3A_255 : i32 to index
    %get3A_257 = arith.constant 32 : index
    %get3A_258 = tpu.vector_load %arg11[%get3A_256, %get3A_257] {strides = array<i32>} : memref<16x64xf32, #tpu.memory_space<vmem>>, vector<16xf32>,
    %add3A_259 = arith.addf %add3A_254, %get3A_258 : vector<16xf32>
    %get3A_260 = arith.constant 3 : i32
    %get3A_261 = arith.index_cast %get3A_260 : i32 to index
    %get3A_262 = arith.constant 32 : index
    %get3A_263 = tpu.vector_load %arg11[%get3A_261, %get3A_262] {strides = array<i32>} : memref<16x64xf32, #tpu.memory_space<vmem>>, vector<16xf32>,
    %add3A_264 = arith.addf %add3A_259, %get3A_263 : vector<16xf32>
    %get3A_265 = arith.constant 4 : i32
    %get3A_266 = arith.index_cast %get3A_265 : i32 to index
    %get3A_267 = arith.constant 32 : index
    %get3A_268 = tpu.vector_load %arg11[%get3A_266, %get3A_267] {strides = array<i32>} : memref<16x64xf32, #tpu.memory_space<vmem>>, vector<16xf32>,
    %add3A_269 = arith.addf %add3A_264, %get3A_268 : vector<16xf32>
    %get3A_270 = arith.constant 5 : i32
    %get3A_271 = arith.index_cast %get3A_270 : i32 to index
    %get3A_272 = arith.constant 32 : index
    %get3A_273 = tpu.vector_load %arg11[%get3A_271, %get3A_272] {strides = array<i32>} : memref<16x64xf32, #tpu.memory_space<vmem>>, vector<16xf32>,
    %add3A_274 = arith.addf %add3A_269, %get3A_273 : vector<16xf32>
    %get3A_275 = arith.constant 6 : i32
    %get3A_276 = arith.index_cast %get3A_275 : i32 to index
    %get3A_277 = arith.constant 32 : index
    %get3A_278 = tpu.vector_load %arg11[%get3A_276, %get3A_277] {strides = array<i32>} : memref<16x64xf32, #tpu.memory_space<vmem>>, vector<16xf32>,
    %add3A_279 = arith.addf %add3A_274, %get3A_278 : vector<16xf32>
    %get3A_280 = arith.constant 7 : i32
    %get3A_281 = arith.index_cast %get3A_280 : i32 to index
    %get3A_282 = arith.constant 32 : index
    %get3A_283 = tpu.vector_load %arg11[%get3A_281, %get3A_282] {strides = array<i32>} : memref<16x64xf32, #tpu.memory_space<vmem>>, vector<16xf32>,
    %add3A_284 = arith.addf %add3A_279, %get3A_283 : vector<16xf32>
    %get3A_285 = arith.constant 8 : i32
    %get3A_286 = arith.index_cast %get3A_285 : i32 to index
    %get3A_287 = arith.constant 32 : index
    %get3A_288 = tpu.vector_load %arg11[%get3A_286, %get3A_287] {strides = array<i32>} : memref<16x64xf32, #tpu.memory_space<vmem>>, vector<16xf32>,
    %add3A_289 = arith.addf %add3A_284, %get3A_288 : vector<16xf32>
    %get3A_290 = arith.constant 9 : i32
    %get3A_291 = arith.index_cast %get3A_290 : i32 to index
    %get3A_292 = arith.constant 32 : index
    %get3A_293 = tpu.vector_load %arg11[%get3A_291, %get3A_292] {strides = array<i32>} : memref<16x64xf32, #tpu.memory_space<vmem>>, vector<16xf32>,
    %add3A_294 = arith.addf %add3A_289, %get3A_293 : vector<16xf32>
    %get3A_295 = arith.constant 10 : i32
    %get3A_296 = arith.index_cast %get3A_295 : i32 to index
    %get3A_297 = arith.constant 32 : index
    %get3A_298 = tpu.vector_load %arg11[%get3A_296, %get3A_297] {strides = array<i32>} : memref<16x64xf32, #tpu.memory_space<vmem>>, vector<16xf32>,
    %add3A_299 = arith.addf %add3A_294, %get3A_298 : vector<16xf32>
    %get3A_300 = arith.constant 11 : i32
    %get3A_301 = arith.index_cast %get3A_300 : i32 to index
    %get3A_302 = arith.constant 32 : index
    %get3A_303 = tpu.vector_load %arg11[%get3A_301, %get3A_302] {strides = array<i32>} : memref<16x64xf32, #tpu.memory_space<vmem>>, vector<16xf32>,
    %add3A_304 = arith.addf %add3A_299, %get3A_303 : vector<16xf32>
    %get3A_305 = arith.constant 12 : i32
    %get3A_306 = arith.index_cast %get3A_305 : i32 to index
    %get3A_307 = arith.constant 32 : index
    %get3A_308 = tpu.vector_load %arg11[%get3A_306, %get3A_307] {strides = array<i32>} : memref<16x64xf32, #tpu.memory_space<vmem>>, vector<16xf32>,
    %add3A_309 = arith.addf %add3A_304, %get3A_308 : vector<16xf32>
    %get3A_310 = arith.constant 13 : i32
    %get3A_311 = arith.index_cast %get3A_310 : i32 to index
    %get3A_312 = arith.constant 32 : index
    %get3A_313 = tpu.vector_load %arg11[%get3A_311, %get3A_312] {strides = array<i32>} : memref<16x64xf32, #tpu.memory_space<vmem>>, vector<16xf32>,
    %add3A_314 = arith.addf %add3A_309, %get3A_313 : vector<16xf32>
    %get3A_315 = arith.constant 14 : i32
    %get3A_316 = arith.index_cast %get3A_315 : i32 to index
    %get3A_317 = arith.constant 32 : index
    %get3A_318 = tpu.vector_load %arg11[%get3A_316, %get3A_317] {strides = array<i32>} : memref<16x64xf32, #tpu.memory_space<vmem>>, vector<16xf32>,
    %add3A_319 = arith.addf %add3A_314, %get3A_318 : vector<16xf32>
    %get3A_320 = arith.constant 15 : i32
    %get3A_321 = arith.index_cast %get3A_320 : i32 to index
    %get3A_322 = arith.constant 32 : index
    %get3A_323 = tpu.vector_load %arg11[%get3A_321, %get3A_322] {strides = array<i32>} : memref<16x64xf32, #tpu.memory_space<vmem>>, vector<16xf32>,
    %add3A_324 = arith.addf %add3A_319, %get3A_323 : vector<16xf32>
    %swap3A_325 = arith.constant 32 : index
    %swap3A_326 = tpu.vector_load %arg12[%swap3A_325] {strides = array<i32>} : memref<64xf32, #tpu.memory_space<vmem>>, vector<16xf32>,
    tpu.vector_store %arg12[%swap3A_325], %add3A_324 {strides = array<i32>} : memref<64xf32, #tpu.memory_space<vmem>>, vector<16xf32>,
    %get3A_327 = arith.constant 0 : i32
    %get3A_328 = arith.index_cast %get3A_327 : i32 to index
    %get3A_329 = arith.constant 48 : index
    %get3A_330 = tpu.vector_load %arg11[%get3A_328, %get3A_329] {strides = array<i32>} : memref<16x64xf32, #tpu.memory_space<vmem>>, vector<16xf32>,
    %get3A_331 = arith.constant 1 : i32
    %get3A_332 = arith.index_cast %get3A_331 : i32 to index
    %get3A_333 = arith.constant 48 : index
    %get3A_334 = tpu.vector_load %arg11[%get3A_332, %get3A_333] {strides = array<i32>} : memref<16x64xf32, #tpu.memory_space<vmem>>, vector<16xf32>,
    %add3A_335 = arith.addf %get3A_330, %get3A_334 : vector<16xf32>
    %get3A_336 = arith.constant 2 : i32
    %get3A_337 = arith.index_cast %get3A_336 : i32 to index
    %get3A_338 = arith.constant 48 : index
    %get3A_339 = tpu.vector_load %arg11[%get3A_337, %get3A_338] {strides = array<i32>} : memref<16x64xf32, #tpu.memory_space<vmem>>, vector<16xf32>,
    %add3A_340 = arith.addf %add3A_335, %get3A_339 : vector<16xf32>
    %get3A_341 = arith.constant 3 : i32
    %get3A_342 = arith.index_cast %get3A_341 : i32 to index
    %get3A_343 = arith.constant 48 : index
    %get3A_344 = tpu.vector_load %arg11[%get3A_342, %get3A_343] {strides = array<i32>} : memref<16x64xf32, #tpu.memory_space<vmem>>, vector<16xf32>,
    %add3A_345 = arith.addf %add3A_340, %get3A_344 : vector<16xf32>
    %get3A_346 = arith.constant 4 : i32
    %get3A_347 = arith.index_cast %get3A_346 : i32 to index
    %get3A_348 = arith.constant 48 : index
    %get3A_349 = tpu.vector_load %arg11[%get3A_347, %get3A_348] {strides = array<i32>} : memref<16x64xf32, #tpu.memory_space<vmem>>, vector<16xf32>,
    %add3A_350 = arith.addf %add3A_345, %get3A_349 : vector<16xf32>
    %get3A_351 = arith.constant 5 : i32
    %get3A_352 = arith.index_cast %get3A_351 : i32 to index
    %get3A_353 = arith.constant 48 : index
    %get3A_354 = tpu.vector_load %arg11[%get3A_352, %get3A_353] {strides = array<i32>} : memref<16x64xf32, #tpu.memory_space<vmem>>, vector<16xf32>,
    %add3A_355 = arith.addf %add3A_350, %get3A_354 : vector<16xf32>
    %get3A_356 = arith.constant 6 : i32
    %get3A_357 = arith.index_cast %get3A_356 : i32 to index
    %get3A_358 = arith.constant 48 : index
    %get3A_359 = tpu.vector_load %arg11[%get3A_357, %get3A_358] {strides = array<i32>} : memref<16x64xf32, #tpu.memory_space<vmem>>, vector<16xf32>,
    %add3A_360 = arith.addf %add3A_355, %get3A_359 : vector<16xf32>
    %get3A_361 = arith.constant 7 : i32
    %get3A_362 = arith.index_cast %get3A_361 : i32 to index
    %get3A_363 = arith.constant 48 : index
    %get3A_364 = tpu.vector_load %arg11[%get3A_362, %get3A_363] {strides = array<i32>} : memref<16x64xf32, #tpu.memory_space<vmem>>, vector<16xf32>,
    %add3A_365 = arith.addf %add3A_360, %get3A_364 : vector<16xf32>
    %get3A_366 = arith.constant 8 : i32
    %get3A_367 = arith.index_cast %get3A_366 : i32 to index
    %get3A_368 = arith.constant 48 : index
    %get3A_369 = tpu.vector_load %arg11[%get3A_367, %get3A_368] {strides = array<i32>} : memref<16x64xf32, #tpu.memory_space<vmem>>, vector<16xf32>,
    %add3A_370 = arith.addf %add3A_365, %get3A_369 : vector<16xf32>
    %get3A_371 = arith.constant 9 : i32
    %get3A_372 = arith.index_cast %get3A_371 : i32 to index
    %get3A_373 = arith.constant 48 : index
    %get3A_374 = tpu.vector_load %arg11[%get3A_372, %get3A_373] {strides = array<i32>} : memref<16x64xf32, #tpu.memory_space<vmem>>, vector<16xf32>,
    %add3A_375 = arith.addf %add3A_370, %get3A_374 : vector<16xf32>
    %get3A_376 = arith.constant 10 : i32
    %get3A_377 = arith.index_cast %get3A_376 : i32 to index
    %get3A_378 = arith.constant 48 : index
    %get3A_379 = tpu.vector_load %arg11[%get3A_377, %get3A_378] {strides = array<i32>} : memref<16x64xf32, #tpu.memory_space<vmem>>, vector<16xf32>,
    %add3A_380 = arith.addf %add3A_375, %get3A_379 : vector<16xf32>
    %get3A_381 = arith.constant 11 : i32
    %get3A_382 = arith.index_cast %get3A_381 : i32 to index
    %get3A_383 = arith.constant 48 : index
    %get3A_384 = tpu.vector_load %arg11[%get3A_382, %get3A_383] {strides = array<i32>} : memref<16x64xf32, #tpu.memory_space<vmem>>, vector<16xf32>,
    %add3A_385 = arith.addf %add3A_380, %get3A_384 : vector<16xf32>
    %get3A_386 = arith.constant 12 : i32
    %get3A_387 = arith.index_cast %get3A_386 : i32 to index
    %get3A_388 = arith.constant 48 : index
    %get3A_389 = tpu.vector_load %arg11[%get3A_387, %get3A_388] {strides = array<i32>} : memref<16x64xf32, #tpu.memory_space<vmem>>, vector<16xf32>,
    %add3A_390 = arith.addf %add3A_385, %get3A_389 : vector<16xf32>
    %get3A_391 = arith.constant 13 : i32
    %get3A_392 = arith.index_cast %get3A_391 : i32 to index
    %get3A_393 = arith.constant 48 : index
    %get3A_394 = tpu.vector_load %arg11[%get3A_392, %get3A_393] {strides = array<i32>} : memref<16x64xf32, #tpu.memory_space<vmem>>, vector<16xf32>,
    %add3A_395 = arith.addf %add3A_390, %get3A_394 : vector<16xf32>
    %get3A_396 = arith.constant 14 : i32
    %get3A_397 = arith.index_cast %get3A_396 : i32 to index
    %get3A_398 = arith.constant 48 : index
    %get3A_399 = tpu.vector_load %arg11[%get3A_397, %get3A_398] {strides = array<i32>} : memref<16x64xf32, #tpu.memory_space<vmem>>, vector<16xf32>,
    %add3A_400 = arith.addf %add3A_395, %get3A_399 : vector<16xf32>
    %get3A_401 = arith.constant 15 : i32
    %get3A_402 = arith.index_cast %get3A_401 : i32 to index
    %get3A_403 = arith.constant 48 : index
    %get3A_404 = tpu.vector_load %arg11[%get3A_402, %get3A_403] {strides = array<i32>} : memref<16x64xf32, #tpu.memory_space<vmem>>, vector<16xf32>,
    %add3A_405 = arith.addf %add3A_400, %get3A_404 : vector<16xf32>
    %swap3A_406 = arith.constant 48 : index
    %swap3A_407 = tpu.vector_load %arg12[%swap3A_406] {strides = array<i32>} : memref<64xf32, #tpu.memory_space<vmem>>, vector<16xf32>,
    tpu.vector_store %arg12[%swap3A_406], %add3A_405 {strides = array<i32>} : memref<64xf32, #tpu.memory_space<vmem>>, vector<16xf32>,
    "tpu.region"() ({
      %run_scoped3A = tpu.sem_alloc : memref<!tpu.dma_semaphore, #tpu.memory_space<semaphore_mem>>
      %dma_start3A_408 = tpu.memref_slice %arg4[%mul3A_85] : memref<1024xf32, #tpu.memory_space<hbm>> -> memref<64xf32, #tpu.memory_space<hbm>>
      %dma_start3A_409 = tpu.memref_slice %arg4[%mul3A_85] : memref<1024xf32, #tpu.memory_space<hbm>> -> memref<64xf32, #tpu.memory_space<hbm>>
      tpu.enqueue_dma source(%arg12 : memref<64xf32, #tpu.memory_space<vmem>>) target(%dma_start3A_409 : memref<64xf32, #tpu.memory_space<hbm>>) target_semaphore(%run_scoped3A : memref<!tpu.dma_semaphore, #tpu.memory_space<semaphore_mem>>)
      %dma_wait3A = tpu.memref_slice %arg4[%mul3A_85] : memref<1024xf32, #tpu.memory_space<hbm>> -> memref<64xf32, #tpu.memory_space<hbm>>
      %dma_wait3A_410 = tpu.memref_slice %arg4[%mul3A_85] : memref<1024xf32, #tpu.memory_space<hbm>> -> memref<64xf32, #tpu.memory_space<hbm>>
      tpu.wait_dma2 semaphore(%run_scoped3A : memref<!tpu.dma_semaphore, #tpu.memory_space<semaphore_mem>>) src(%arg12 : memref<64xf32, #tpu.memory_space<vmem>>) dst(%dma_wait3A_410 : memref<64xf32, #tpu.memory_space<hbm>>)
      tpu.yield
    }) : () -> ()
    return
  }
}

module attributes {stable_mosaic.version = 14 : i64} {
  func.func @_mlp_body(%arg0: i32, %arg1: memref<16x100000xf32, #tpu.memory_space<vmem>>, %arg2: memref<16x16xf32, #tpu.memory_space<vmem>>, %arg3: memref<16x1xf32, #tpu.memory_space<vmem>>, %arg4: memref<1x16xf32, #tpu.memory_space<vmem>>, %arg5: memref<1x1xf32, #tpu.memory_space<vmem>>, %arg6: memref<1x100000xf32, #tpu.memory_space<vmem>>) attributes {dimension_semantics = [#tpu.dimension_semantics<arbitrary>], iteration_bounds = array<i64: 1>, scalar_prefetch = 0 : i64, scratch_operands = 0 : i64, tpu.core_type = #tpu.core_type<tc>, window_params = [{transform_indices = @transform_0, window_bounds = array<i64: 16, 100000>}, {pipeline_mode = #tpu.pipeline_mode<synchronous>, transform_indices = @transform_1, window_bounds = array<i64: 16, 16>}, {pipeline_mode = #tpu.pipeline_mode<synchronous>, transform_indices = @transform_2, window_bounds = array<i64: 16, 1>}, {pipeline_mode = #tpu.pipeline_mode<synchronous>, transform_indices = @transform_3, window_bounds = array<i64: 1, 16>}, {pipeline_mode = #tpu.pipeline_mode<synchronous>, transform_indices = @transform_4, window_bounds = array<i64: 1, 1>}, {pipeline_mode = #tpu.pipeline_mode<synchronous>, transform_indices = @transform_5, window_bounds = array<i64: 1, 100000>}]} {
    %get3A = arith.constant 0 : index
    %get3A_0 = arith.constant 0 : index
    %get3A_1 = vector.load %arg2[%get3A, %get3A_0] : memref<16x16xf32, #tpu.memory_space<vmem>>, vector<16x16xf32>
    %get3A_2 = arith.constant 0 : index
    %get3A_3 = arith.constant 0 : index
    %get3A_4 = vector.load %arg1[%get3A_2, %get3A_3] : memref<16x100000xf32, #tpu.memory_space<vmem>>, vector<16x100000xf32>
    %dot_general3A = arith.constant dense<0.000000e+00> : vector<16x100000xf32>
    %dot_general3A_5 = tpu.matmul %get3A_1, %get3A_4, %dot_general3A {dimension_numbers = #tpu.dot_dimension_numbers<[1], [0], [0], [1], [0, 0, 1, 1], [], []>, transpose_lhs_hint = false} : vector<16x16xf32>, vector<16x100000xf32>, vector<16x100000xf32> -> vector<16x100000xf32>
    %get3A_6 = arith.constant 0 : index
    %get3A_7 = arith.constant 0 : index
    %get3A_8 = vector.load %arg3[%get3A_6, %get3A_7] : memref<16x1xf32, #tpu.memory_space<vmem>>, vector<16x1xf32>
    %add3A = vector.broadcast %get3A_8 : vector<16x1xf32> to vector<16x100000xf32>
    %add3A_9 = arith.addf %dot_general3A_5, %add3A : vector<16x100000xf32>
    %neg3A = arith.constant 0.000000e+00 : f32
    %neg3A_10 = vector.broadcast %neg3A : f32 to vector<16x100000xf32>
    %neg3A_11 = arith.subf %neg3A_10, %add3A_9 : vector<16x100000xf32>
    %exp3A = math.exp %neg3A_11 : vector<16x100000xf32>
    %add3A_12 = arith.constant 1.000000e+00 : f32
    %add3A_13 = vector.broadcast %add3A_12 : f32 to vector<16x100000xf32>
    %add3A_14 = arith.addf %add3A_13, %exp3A : vector<16x100000xf32>
    %div3A = arith.constant 1.000000e+00 : f32
    %div3A_15 = vector.broadcast %div3A : f32 to vector<16x100000xf32>
    %div3A_16 = arith.divf %div3A_15, %add3A_14 : vector<16x100000xf32>
    %mul3A = arith.mulf %add3A_9, %div3A_16 : vector<16x100000xf32>
    %get3A_17 = arith.constant 0 : index
    %get3A_18 = arith.constant 0 : index
    %get3A_19 = vector.load %arg4[%get3A_17, %get3A_18] : memref<1x16xf32, #tpu.memory_space<vmem>>, vector<1x16xf32>
    %dot_general3A_20 = arith.constant dense<0.000000e+00> : vector<1x100000xf32>
    %dot_general3A_21 = tpu.matmul %get3A_19, %mul3A, %dot_general3A_20 {dimension_numbers = #tpu.dot_dimension_numbers<[1], [0], [0], [1], [0, 0, 1, 1], [], []>, transpose_lhs_hint = false} : vector<1x16xf32>, vector<16x100000xf32>, vector<1x100000xf32> -> vector<1x100000xf32>
    %get3A_22 = arith.constant 0 : index
    %get3A_23 = arith.constant 0 : index
    %get3A_24 = vector.load %arg5[%get3A_22, %get3A_23] : memref<1x1xf32, #tpu.memory_space<vmem>>, vector<1x1xf32>
    %add3A_25 = vector.broadcast %get3A_24 : vector<1x1xf32> to vector<1x100000xf32>
    %add3A_26 = arith.addf %dot_general3A_21, %add3A_25 : vector<1x100000xf32>
    %swap3A = arith.constant 0 : index
    %swap3A_27 = arith.constant 0 : index
    %swap3A_28 = vector.load %arg6[%swap3A, %swap3A_27] : memref<1x100000xf32, #tpu.memory_space<vmem>>, vector<1x100000xf32>
    tpu.vector_store %arg6[%swap3A, %swap3A_27], %add3A_26 {strides = array<i32>} : memref<1x100000xf32, #tpu.memory_space<vmem>>, vector<1x100000xf32>,
    return
  }
  func.func @transform_0(%arg0: i32) -> (i32, i32) {
    %c3_i32 = arith.constant 3 : i32
    %c0_i32 = arith.constant 0 : i32
    %c0_i32_0 = arith.constant 0 : i32
    return %c3_i32, %c0_i32 : i32, i32
  }
  func.func @transform_1(%arg0: i32) -> (i32, i32) {
    %c0_i32 = arith.constant 0 : i32
    %c0_i32_0 = arith.constant 0 : i32
    %c0_i32_1 = arith.constant 0 : i32
    return %c0_i32, %c0_i32_0 : i32, i32
  }
  func.func @transform_2(%arg0: i32) -> (i32, i32) {
    %c0_i32 = arith.constant 0 : i32
    %c0_i32_0 = arith.constant 0 : i32
    %c0_i32_1 = arith.constant 0 : i32
    return %c0_i32, %c0_i32_0 : i32, i32
  }
  func.func @transform_3(%arg0: i32) -> (i32, i32) {
    %c0_i32 = arith.constant 0 : i32
    %c0_i32_0 = arith.constant 0 : i32
    %c0_i32_1 = arith.constant 0 : i32
    return %c0_i32, %c0_i32_0 : i32, i32
  }
  func.func @transform_4(%arg0: i32) -> (i32, i32) {
    %c0_i32 = arith.constant 0 : i32
    %c0_i32_0 = arith.constant 0 : i32
    %c0_i32_1 = arith.constant 0 : i32
    return %c0_i32, %c0_i32_0 : i32, i32
  }
  func.func @transform_5(%arg0: i32) -> (i32, i32) {
    %c0_i32 = arith.constant 0 : i32
    %c0_i32_0 = arith.constant 0 : i32
    %c0_i32_1 = arith.constant 0 : i32
    return %c0_i32, %c0_i32_0 : i32, i32
  }
}

</mosaic_0001>

<sc_bundles>
// kernel: kernel.4.cloned.1.call-start
scs
__scs_entry_jumppad:
0x0: {  	(pc) =	sbr.rel $0x88, $3  }
0x1: {  	(tag) =	ssettag $0x0;
	lr =	simm.s32 $0x1  }
0x2: {  	[smem:$0x3F9B] =	sst lr;
	_ =	strace $0xD0000000  }
0x3: {  	_ = 	snop  }
0x4: {  	_ = 	snop  }
0x5: {  	_ = 	snop  }
0x6: {  	_ = 	snop  }
0x7: {  	_ = 	snop  }
__scs_overlays_trampoline_lowered:
0x8: {  	[smem:$0x3FAA] =	sst s0  }
0x9: {  	[smem:$0x3FAB] =	sst s1  }
0xa: {  	[smem:$0x3FAC] =	sst s2  }
0xb: {  	[smem:$0x3FAD] =	sst s3  }
0xc: {  	[smem:$0x3FAE] =	sst s4  }
0xd: {  	[smem:$0x3FAF] =	sst s5  }
0xe: {  	[smem:$0x3FB0] =	sst s6  }
0xf: {  	[smem:$0x3FB1] =	sst s7  }
0x10: {  	[smem:$0x3FB2] =	sst s8  }
0x11: {  	[smem:$0x3FB3] =	sst s9;
	s0 =	simm.s32 @!p0 $0x0  }
0x12: {  	s1 =	sld [smem:$0x3F99];
	s0 =	simm.s32 @p0 $0x1  }
0x13: {  	[smem:$0x3FB4] =	sst s0;
	s0 =	simm.s32 @!p1 $0x0  }
0x14: {  	s2 =	sld [smem:$0x3F98];
	s0 =	simm.s32 @p1 $0x1  }
0x15: {  	[smem:$0x3FB5] =	sst s0;
	s0 =	simm.s32 @!p2 $0x0  }
0x16: {  	s3 =	sld [smem:$0x3FDB];
	s0 =	simm.s32 @p2 $0x1  }
0x17: {  	s4 =	simm.s32 $0x1BF5;
	[smem:$0x3FB7] =	sst s0  }
0x18: {  	s0 =	sld [smem:$0x3F9A];
	_ =	swait.ge [sflag:s4], $0x0  }
0x19: {  	s7 =	sld [smem:$0x3F9B]  }
0x1a: {  	s8 =	sadd.s32 $0xFFFFE003, lr  }
0x1b: {  	s9 =	sadd.s32 $0xFFFFFEF7, lr;
	s5 =	simm.s32 $0xFFFFFFFF;
	p2 =	slt.u32 s8, $0xFFFFF086  }
0x1c: {  	p1 =	slt.u32 s9, $0xF7A;
	s5 =	simm.s32 @!p2 $0x0  }
0x1d: {  	s5 =	simm.s32 @p1 $0x1;
	p0 =	seq.s32 s7, s2  }
0x1e: {  	s7 =	smul.u32 @!p0 $0xF7A, s2;
	p2 =	seq.s32 @!p0 s5, $0x0  }
0x1f: {  	s9 =	smul.u32 $0xF7A, s1;
	s8 =	simm.s32 @!p0 $0x1BF5;
	p2 =	por !p2, p0  }
0x20: {  	[sflag:s8] =	ssyncset.s32 @!p0 $0xFFFFF086;
	s6 =	sadd.s32 @!p0 s3, s7;
	s7 =	simm.s32 @!p0 $0x108  }
0x21: {  	s3 =	sadd.s32 s3, s9;
	s6 =	sadd.s32 @!p0 $0x88, s6;
	s7 =	simm.s32 @p2 $0x1082  }
0x22: {  	[simem:s7], [sflag:s8] =	dma.local @!p0 [hbm:s6], $0xF7A  }
0x23: {  	s9 =	sor.u32 $0xD0000000, s2;
	s6 =	simm.s32 $0x108;
	_ =	swait.ge @!p0 [sflag:s8], $0x0  }
0x24: {  	s3 =	sadd.s32 $0x88, s3;
	s6 =	simm.s32 @!p1 $0x1082;
	[sflag:s4] =	ssyncset.s32 $0xFFFFF086  }
0x25: {  	[simem:s6], [sflag:s4] =	dma.local [hbm:s3], $0xF7A  }
0x26: {  	[smem:$0x3F9B] =	sst s1;
	(tag) =	ssettag s2;
	_ =	strace s9  }
0x27: {  	s1 =	sld [smem:$0x3FAB]  }
0x28: {  	s2 =	sld [smem:$0x3FAC]  }
0x29: {  	s4 =	sld [smem:$0x3FAE]  }
0x2a: {  	p0 =	seq.s32 s5, $0x0;
	s5 =	sld [smem:$0x3FAF]  }
0x2b: {  	s6 =	sld [smem:$0x3FB0]  }
0x2c: {  	s7 =	sld [smem:$0x3FB1]  }
0x2d: {  	s3 =	simm.s32 $0x108;
	s8 =	sld [smem:$0x3FB2]  }
0x2e: {  	s3 =	simm.s32 @!p0 $0x1082;
	s9 =	sld [smem:$0x3FB3]  }
0x2f: {  	lr =	sadd.s32 s0, s3;
	s0 =	sld [smem:$0x3FAA]  }
0x30: {  	s3 =	sld [smem:$0x3FAD]  }
0x31: {  	[smem:$0x3FB6] =	sst s10  }
0x32: {  	s10 =	sld [smem:$0x3FB4];
	_ =	sdelay $0x3  }
0x33: {  	p0 =	seq.s32 s10, $0x1;
	s10 =	sld [smem:$0x3FB6];
	_ =	sdelay $0x3  }
0x34: {  	[smem:$0x3FB6] =	sst s10  }
0x35: {  	s10 =	sld [smem:$0x3FB5];
	_ =	sdelay $0x3  }
0x36: {  	p1 =	seq.s32 s10, $0x1;
	s10 =	sld [smem:$0x3FB6];
	_ =	sdelay $0x3  }
0x37: {  	[smem:$0x3FB6] =	sst s10  }
0x38: {  	s10 =	sld [smem:$0x3FB7]  }
0x39: {  	_ = 	snop;
	(pc) =	sbr.ind lr, $3  }
0x3a: {  	_ = 	snop  }
0x3b: {  	_ = 	snop  }
0x3c: {  	p2 =	seq.s32 s10, $0x1;
	s10 =	sld [smem:$0x3FB6]  }
0x3d: {  	_ =	shalt  }
0x3e: {  	_ =	shalt  }
0x3f: {  	_ =	shalt  }
0x40: {  	_ =	shalt  }
0x41: {  	_ =	shalt  }
0x42: {  	_ =	shalt  }
0x43: {  	_ =	shalt  }
0x44: {  	_ =	shalt  }
0x45: {  	_ =	shalt  }
0x46: {  	_ =	shalt  }
0x47: {  	_ =	shalt  }
0x48: {  	_ =	shalt  }
0x49: {  	_ =	shalt  }
0x4a: {  	_ =	shalt  }
0x4b: {  	_ =	shalt  }
0x4c: {  	_ =	shalt  }
0x4d: {  	_ =	shalt  }
0x4e: {  	_ =	shalt  }
0x4f: {  	_ =	shalt  }
0x50: {  	_ =	shalt  }
0x51: {  	_ =	shalt  }
0x52: {  	_ =	shalt  }
0x53: {  	_ =	shalt  }
0x54: {  	_ =	shalt  }
0x55: {  	_ =	shalt  }
0x56: {  	_ =	shalt  }
0x57: {  	_ =	shalt  }
0x58: {  	_ =	shalt  }
0x59: {  	_ =	shalt  }
0x5a: {  	_ =	shalt  }
0x5b: {  	_ =	shalt  }
0x5c: {  	_ =	shalt  }
0x5d: {  	_ =	shalt  }
0x5e: {  	_ =	shalt  }
0x5f: {  	_ =	shalt  }
0x60: {  	_ =	shalt  }
0x61: {  	_ =	shalt  }
0x62: {  	_ =	shalt  }
0x63: {  	_ =	shalt  }
0x64: {  	_ =	shalt  }
0x65: {  	_ =	shalt  }
0x66: {  	_ =	shalt  }
0x67: {  	_ =	shalt  }
0x68: {  	_ =	shalt  }
0x69: {  	_ =	shalt  }
0x6a: {  	_ =	shalt  }
0x6b: {  	_ =	shalt  }
0x6c: {  	_ =	shalt  }
0x6d: {  	_ =	shalt  }
0x6e: {  	_ =	shalt  }
0x6f: {  	_ =	shalt  }
0x70: {  	_ =	shalt  }
0x71: {  	_ =	shalt  }
0x72: {  	_ =	shalt  }
0x73: {  	_ =	shalt  }
0x74: {  	_ =	shalt  }
0x75: {  	_ =	shalt  }
0x76: {  	_ =	shalt  }
0x77: {  	_ =	shalt  }
0x78: {  	_ =	shalt  }
0x79: {  	_ =	shalt  }
0x7a: {  	_ =	shalt  }
0x7b: {  	_ =	shalt  }
0x7c: {  	_ =	shalt  }
0x7d: {  	_ =	shalt  }
0x7e: {  	_ =	shalt  }
0x7f: {  	_ =	shalt  }
0x80: {  	_ =	shalt  }
0x81: {  	_ =	shalt  }
0x82: {  	_ =	shalt  }
0x83: {  	_ =	shalt  }
0x84: {  	_ =	shalt  }
0x85: {  	_ =	shalt  }
0x86: {  	_ =	shalt  }
0x87: {  	_ =	shalt  }
.Lfunc_end0:
.L_simem_size_0:
called_computation_lowered:
.L_overlay_start_0:
0x88: {  	s0 =	sld [smem:$0x3FD9]  }
0x89: {  	s1 =	sld [smem:$0x3FFE];
	_ =	sdelay $0x3  }
0x8a: {  	s0 =	sadd.s32 s1, s0  }
0x8b: {  	[smem:$0x3FC2] =	sst s0  }
0x8c: {  	_ = 	snop  }
0x8d: {  	s0 =	sld [smem:$0x3FD0];
	_ =	sdelay $0x2  }
0x8e: {  	s2 =	simm.s32 $0xA;
	s3 =	simm.s32 $0x10;
	s14 =	sld [smem:$0x3FC8]  }
0x8f: {  	[smem:s3], [sflag:s2] =	dma.local [hbm:s0], $0x1  }
0x90: {  	_ =	swait.eq [sflag:s2], $0x1  }
0x91: {  	[sflag:s2] =	ssyncset.done $0x0  }
0x92: {  	s15 =	sld [smem:$0x10];
	[sflag:s2] =	ssyncadd.s32 $0xFFFFFFFF  }
0x93: {  	s16 =	sld [smem:$0x11];
	(tm) =	ssettm $0x1  }
0x94: {  	s17 =	sld [smem:$0x3FFB];
	_ =	sdelay $0x3  }
0x95: {  	_ =	strace s17  }
0x96: {  	s3 =	sld [smem:$0x3FFC];
	_ =	sdelay $0x3  }
0x97: {  	_ =	strace s3  }
0x98: {  	s3 =	sld [smem:$0x3FFD];
	_ =	sdelay $0x3  }
0x99: {  	_ =	strace s3  }
0x9a: {  	_ =	strace $0x8FFFFFFF  }
0x9b: {  	s18 =	sld [smem:$0x3FDB];
	_ =	sdelay $0x1  }
0x9c: {  	s4 =	simm.s32 $_scs_section_size  }
0x9d: {  	s5 =	simm.s32 $_size__tile_overlayer_lowered;
	s6 =	simm.s32 $_tile_overlayer_lowered  }
0x9e: {  	s21 =	simm.s32 $0x1BFF;
	s20 =	sshll.u32 s6, $0x1;
	s3 =	sadd.s32 s4, s18  }
0x9f: {  	s7 =	simm.s32 $0x0;
	s19 =	sshll.u32 s5, $0x1;
	s5 =	sadd.s32 s20, s3  }
0xa0: {  	[timem:s7], [sflag:s21] =	dma.local [hbm:s5], s19  }
0xa1: {  	_ =	swait.ge [sflag:s21], s19  }
0xa2: {  	s4 =	ssub.s32 $0x0, s19;
	[sflag:s21] =	ssyncset.done $0x0  }
0xa3: {  	[sflag:s21] =	ssyncadd.s32 s4;
	_ =	sdelay $0x1  }
0xa4: {  	s22 =	simm.s32 $0x1B8B  }
0xa5: {  	_ =	swait.ge [sflag:s22], $0x1  }
0xa6: {  	[sflag:s22] =	ssyncset.done $0x0  }
0xa7: {  	s23 =	simm.s32 $0x1B8E;
	[sflag:s22] =	ssyncadd.s32 $0xFFFFFFFF  }
0xa8: {  	s24 =	simm.s32 $execute0_lowered;
	[smem:$0x3FD2] =	sst s23  }
0xa9: {  	s4 =	sshll.u32 s24, $0x1;
	_ =	strace $0x80000046;
	[dreg:$0x1] =	wrdreg $0xFFFFFFFF  }
0xaa: {  	s25 =	simm.s32 $_size_execute0_lowered;
	s3 =	sadd.s32 s3, s4;
	[dreg:$0x0] =	wrdreg $0x0  }
0xab: {  	s4 =	sshll.u32 s25, $0x1;
	[dreg:$0x2] =	wrdreg s3  }
0xac: {  	[dreg:$0x3] =	wrdreg s4  }
0xad: {  	[dreg:$0x4] =	wrdreg $0xC0  }
0xae: {  	_ =	task [dreg:s7], $0x5FFFF  }
0xaf: {  	[dreg:$0x1] =	wrdreg $0xFFFFFFFF  }
0xb0: {  	[dreg:$0x0] =	wrdreg $0x60  }
0xb1: {  	[dreg:$0x2] =	wrdreg s16  }
0xb2: {  	[dreg:$0x3] =	wrdreg s14  }
0xb3: {  	[dreg:$0x4] =	wrdreg s15  }
0xb4: {  	[dreg:$0x5] =	wrdreg $0x67800  }
0xb5: {  	[dreg:$0x6] =	wrdreg $0x9  }
0xb6: {  	_ =	task.clear_ibuf [dreg:s7], $0x7FFFF;
	_ =	strace $0x90000046  }
0xb7: {  	s26 =	simm.s32 $0x9;
	_ =	strace $0x80000048  }
0xb8: {  	_ =	swait.ge [sflag:s26], $0x1  }
0xb9: {  	[sflag:s26] =	ssyncadd.s32 $0xFFFFFFFF  }
0xba: {  	_ =	strace $0x90000048  }
0xbb: {  	_ =	sfence  }
0xbc: {  	s28 =	sld [smem:$0x0];
	_ =	sdelay $0x1  }
0xbd: {  	s29 =	srdreg.scid  }
0xbe: {  	s30 =	sshll.u32 s29, $0xD;
	s31 =	sshrl.u32 s29, $0x2  }
0xbf: {  	s1 =	sand.u32 $0x1, s29;
	s2 =	sand.u32 $0x4000, s30;
	s0 =	sadd.s32 s31, s28  }
0xc0: {  	s1 =	sor.u32 s2, s1;
	s0 =	sshll.u32 s0, $0x11  }
0xc1: {  	s0 =	sor.u32 s0, s1  }
0xc2: {  	s0 =	sadd.s32 $0x8F2B, s0  }
0xc3: {  	[sflag:s0] =	ssyncadd.remote.s32 $0x1  }
0xc4: {  	_ =	sfence.sel $0xFFFF  }
0xc5: {  	[dreg:$0x0] =	wrdreg $0xFFFFFFFF;
	(pc) =	sbr.abs _section_cstart, $3  }
0xc6: {  	[dreg:$0x1] =	wrdreg $0xFFFFFFFF  }
0xc7: {  	_ =	task.clear_ibuf [dreg:s7], $0x2FFFF;
	_ =	strace $0x9FFFFFFF  }
0xc8: {  	(tm) =	ssettm $0x7FFFFFFF  }
0xc9: {  	_ =	shalt  }
tec
execute0_lowered:
.L_overlay_start_1:
0x0: {  	(tag) =	ssettag $0x1  }
0x1: {  	s0 =	stileid.u32  }
0x2: {  	s1 =	smul.u32 $0x3, s0  }
0x3: {  	s4 =	rddreg [dreg:$0x0]  }
0x4: {  	p0 =	slt.u32 s0, $0x2;
	s2 =	sshll.u32 s0, $0x2;
	s6 =	sadd.s32 $0x2, s1  }
0x5: {  	s5 =	rddreg [dreg:$0x1];
	s6 =	smov.u32 @p0 s2  }
0x6: {  	s3 =	rddreg [dreg:$0x3];
	s9 =	simm.s32 $0x0;
	s26 =	smin.u32 s6, $0x30  }
0x7: {  	[smem:$0x7FF] =	sst s9;
	s8 =	smin.u32 s6, $0x31;
	s7 =	smul.u32 $0x7D0, s26  }
0x8: {  	s1 =	rddreg [dreg:$0x4];
	s8 =	smul.u32 $0xFA, s8  }
0x9: {  	s2 =	rddreg [dreg:$0x2]  }
0xa: {  	_ =	strace $0x80000047;
	s10 =	sadd.s32 s4, s8;
	s7 =	sshrl.u32 s7, $0x3  }
0xb: {  	[tilespmem:s9], [sflag:$0x1] =	stream.linear.gather [hbm4b:s10+s9], $0x7D0, $0x38;
	[tilespmem:$0x6B80] =	vst v63  }
0xc: {  	s28 =	simm.s32 $0xFA0;
	s8 =	sadd.s32 s5, s8;
	s7 =	sadd.s32 $0xFA, s7  }
0xd: {  	[tilespmem:s28], [sflag:$0x1] =	stream.linear.gather [hbm4b:s8+s9], $0x7D0, $0x38;
	[tilespmem:$0x6B80] =	vst v63  }
0xe: {  	s30 =	simm.s32 $0x7D0;
	s29 =	sadd.s32 s4, s7  }
0xf: {  	[tilespmem:s30], [sflag:$0x2] =	stream.linear.gather [hbm4b:s29+s9], $0x7D0, $0x38;
	[tilespmem:$0x6B80] =	vst v63  }
0x10: {  	s31 =	simm.s32 $0x1770;
	s7 =	sadd.s32 s5, s7  }
0x11: {  	[tilespmem:s31], [sflag:$0x2] =	stream.linear.gather [hbm4b:s7+s9], $0x7D0, $0x38;
	[tilespmem:$0x6B80] =	vst v63  }
0x12: {  	v0 =	vimm.f32 $0.0e+00;
	s8 =	simm.s32 $0xFFFFF040;
	s7 =	simm.s32 $0xFFFFFC00  }
.LBB2_1:
0x13: {  	p0 =	sne.s32 s8, $0xFFFFFFC0;
	[tilespmem:s7+$0x5F40] =	vst v0  }
0x14: {  	[tilespmem:s7+$0x2340] =	vst v0  }
0x15: {  	[tilespmem:s7+$0x2740] =	vst v0  }
0x16: {  	[tilespmem:s7+$0x2B40] =	vst v0  }
0x17: {  	[tilespmem:s7+$0x2F40] =	vst v0  }
0x18: {  	[tilespmem:s7+$0x3340] =	vst v0  }
0x19: {  	[tilespmem:s7+$0x3740] =	vst v0  }
0x1a: {  	[tilespmem:s7+$0x3B40] =	vst v0  }
0x1b: {  	[tilespmem:s7+$0x3F40] =	vst v0  }
0x1c: {  	[tilespmem:s7+$0x4340] =	vst v0  }
0x1d: {  	[tilespmem:s7+$0x4740] =	vst v0  }
.Ltmp0:
0x1e: {  	[tilespmem:s7+$0x4B40] =	vst v0;
	(pc) =	sbr.rel @p0 .LBB2_1-.Ltmp0, $4  }
0x1f: {  	[tilespmem:s7+$0x4F40] =	vst v0  }
0x20: {  	[tilespmem:s7+$0x5340] =	vst v0  }
0x21: {  	[tilespmem:s7+$0x5740] =	vst v0  }
0x22: {  	[tilespmem:s7+$0x5B40] =	vst v0;
	s7 =	sshra.s32 s8, $0x2;
	s8 =	sadd.s32 $0x40, s8  }
0x23: {  	[tilespmem:s7+$0x5F40] =	vst v0  }
0x24: {  	[tilespmem:s7+$0x2340] =	vst v0  }
0x25: {  	[tilespmem:s7+$0x2740] =	vst v0  }
0x26: {  	[tilespmem:s7+$0x2B40] =	vst v0  }
0x27: {  	[tilespmem:s7+$0x2F40] =	vst v0  }
0x28: {  	[tilespmem:s7+$0x3340] =	vst v0  }
0x29: {  	[tilespmem:s7+$0x3740] =	vst v0  }
0x2a: {  	[tilespmem:s7+$0x3B40] =	vst v0  }
0x2b: {  	[tilespmem:s7+$0x3F40] =	vst v0  }
0x2c: {  	[tilespmem:s7+$0x4340] =	vst v0  }
0x2d: {  	[tilespmem:s7+$0x4740] =	vst v0  }
0x2e: {  	[tilespmem:s7+$0x4B40] =	vst v0  }
0x2f: {  	[tilespmem:s7+$0x4F40] =	vst v0  }
0x30: {  	[tilespmem:s7+$0x5340] =	vst v0  }
0x31: {  	[tilespmem:s7+$0x5740] =	vst v0  }
0x32: {  	[tilespmem:s7+$0x5B40] =	vst v0;
	s31 =	simm.s32 $0x1  }
0x33: {  	_ =	swait.ge [sflag:s31], $0x7D0  }
0x34: {  	[sflag:s31] =	ssyncset.done $0x0  }
0x35: {  	[sflag:s31] =	ssyncadd.s32 $0xFFFFF830  }
0x36: {  	_ =	swait.ge [sflag:s31], $0x7D0  }
0x37: {  	v0 =	vlaneseq.u32;
	s7 =	simm.s32 $0x1F40;
	[sflag:s31] =	ssyncset.done $0x0  }
0x38: {  	s9 =	simm.s32 $0x0;
	s8 =	simm.s32 $0x40;
	v0 =	vmul.u32 $0x400, v0;
	[sflag:s31] =	ssyncadd.s32 $0xFFFFF830  }
.LBB2_3:
0x39: {  	p0 =	sne.s32 s8, $0x1F00;
	v1 =	vld [tilespmem:s9+$0xFA0];
	_ =	sdelay $0x4  }
0x3a: {  	v2 =	vld [tilespmem:s9+$0x0];
	v1 =	vadd.s32 v0, v1  }
.Ltmp1:
0x3b: {  	(pc) =	sbr.rel @p0 .LBB2_3-.Ltmp1, $2  }
0x3c: {  	_ =	sdelay $0x2  }
0x3d: {  	s9 =	sshra.s32 s8, $0x2;
	s8 =	sadd.s32 $0x40, s8;
	[tilespmem:v1+s7+$0x0] =	vst.idx.add.f32.msk $0xffff, v2  }
0x3e: {  	v1 =	vld [tilespmem:s9+$0xFA0];
	_ =	sdelay $0x4  }
0x3f: {  	v2 =	vld [tilespmem:s9+$0x0];
	s6 =	smin.u32 s6, $0x2F;
	v0 =	vadd.s32 v0, v1  }
0x40: {  	s6 =	smul.u32 $0x7D0, s6;
	_ =	sdelay $0x1  }
0x41: {  	s6 =	sshrl.u32 s6, $0x3  }
0x42: {  	s6 =	sadd.s32 $0x1F4, s6  }
0x43: {  	s8 =	simm.s32 $0x0;
	s29 =	sadd.s32 s4, s6;
	[tilespmem:v0+s7+$0x0] =	vst.idx.add.f32.msk $0xffff, v2  }
0x44: {  	[tilespmem:s8], [sflag:$0x1] =	stream.linear.gather [hbm4b:s29+s8], $0x7D0, $0x38;
	[tilespmem:$0x6B80] =	vst v63  }
0x45: {  	s30 =	simm.s32 $0xFA0;
	s31 =	simm.s32 $0x2;
	s6 =	sadd.s32 s5, s6  }
0x46: {  	[tilespmem:s30], [sflag:$0x1] =	stream.linear.gather [hbm4b:s6+s8], $0x7D0, $0x38;
	[tilespmem:$0x6B80] =	vst v63  }
0x47: {  	_ =	swait.ge [sflag:s31], $0x7D0  }
0x48: {  	[sflag:s31] =	ssyncset.done $0x0  }
0x49: {  	[sflag:s31] =	ssyncadd.s32 $0xFFFFF830  }
0x4a: {  	_ =	swait.ge [sflag:s31], $0x7D0  }
0x4b: {  	v0 =	vlaneseq.u32;
	s7 =	simm.s32 $0x40;
	[sflag:s31] =	ssyncset.done $0x0  }
0x4c: {  	v0 =	vmul.u32 $0x400, v0;
	s6 =	simm.s32 $0x1F40;
	s8 =	simm.s32 $0x0;
	[sflag:s31] =	ssyncadd.s32 $0xFFFFF830  }
.LBB2_5:
0x4d: {  	p0 =	sne.s32 s7, $0x1F00;
	v1 =	vld [tilespmem:s8+$0x1770];
	_ =	sdelay $0x4  }
0x4e: {  	v2 =	vld [tilespmem:s8+$0x7D0];
	v1 =	vadd.s32 v0, v1  }
.Ltmp2:
0x4f: {  	(pc) =	sbr.rel @p0 .LBB2_5-.Ltmp2, $2  }
0x50: {  	_ =	sdelay $0x2  }
0x51: {  	s8 =	sshra.s32 s7, $0x2;
	s7 =	sadd.s32 $0x40, s7;
	[tilespmem:v1+s6+$0x0] =	vst.idx.add.f32.msk $0xffff, v2  }
0x52: {  	v1 =	vld [tilespmem:s8+$0x1770];
	_ =	sdelay $0x4  }
0x53: {  	v2 =	vld [tilespmem:s8+$0x7D0];
	p0 =	sgt.u32 s0, $0x1;
	v0 =	vadd.s32 v0, v1  }
0x54: {  	s7 =	smul.u32 @!p0 $0x1F40, s0;
	_ =	sdelay $0x1  }
0x55: {  	s7 =	sshrl.u32 @!p0 s7, $0x3  }
0x56: {  	s7 =	sadd.s32 @!p0 $0x2EE, s7  }
0x57: {  	s8 =	simm.s32 @!p0 $0x7D0;
	s4 =	sadd.s32 @!p0 s4, s7;
	[tilespmem:v0+s6+$0x0] =	vst.idx.add.f32.msk $0xffff, v2;
	s6 =	simm.s32 @!p0 $0x0  }
0x58: {  	[tilespmem:s8], [sflag:$0x2] =	stream.linear.gather @!p0 [hbm4b:s4+s6], $0x7D0, $0x38;
	[tilespmem:$0x6B80] =	vst v63  }
0x59: {  	s28 =	simm.s32 $0x1;
	s4 =	sadd.s32 @!p0 s5, s7;
	s5 =	simm.s32 @!p0 $0x1770  }
0x5a: {  	[tilespmem:s5], [sflag:$0x2] =	stream.linear.gather @!p0 [hbm4b:s4+s6], $0x7D0, $0x38;
	[tilespmem:$0x6B80] =	vst v63  }
0x5b: {  	_ =	swait.ge [sflag:s28], $0x7D0  }
0x5c: {  	s29 =	sshll.u32 s0, $0xA;
	[sflag:s28] =	ssyncset.done $0x0  }
0x5d: {  	s30 =	sshll.u32 s0, $0x6;
	s31 =	sshll.u32 s0, $0x3;
	[sflag:s28] =	ssyncadd.s32 $0xFFFFF830  }
0x5e: {  	s2 =	sadd.s32 s2, s31;
	s7 =	simm.s32 $0x0;
	_ =	swait.ge [sflag:s28], $0x7D0  }
0x5f: {  	v0 =	vlaneseq.u32;
	s4 =	sadd.s32 s29, s3;
	s3 =	sadd.s32 s30, s3;
	[sflag:s28] =	ssyncset.done $0x0  }
0x60: {  	v0 =	vmul.u32 $0x400, v0;
	s5 =	simm.s32 $0x1F40;
	s6 =	simm.s32 $0x40;
	[sflag:s28] =	ssyncadd.s32 $0xFFFFF830  }
.LBB2_7:
0x61: {  	p1 =	sne.s32 s6, $0x1F00;
	v1 =	vld [tilespmem:s7+$0xFA0];
	_ =	sdelay $0x4  }
0x62: {  	v2 =	vld [tilespmem:s7+$0x0];
	v1 =	vadd.s32 v0, v1  }
.Ltmp3:
0x63: {  	(pc) =	sbr.rel @p1 .LBB2_7-.Ltmp3, $2  }
0x64: {  	_ =	sdelay $0x2  }
0x65: {  	s7 =	sshra.s32 s6, $0x2;
	s6 =	sadd.s32 $0x40, s6;
	[tilespmem:v1+s5+$0x0] =	vst.idx.add.f32.msk $0xffff, v2  }
0x66: {  	v1 =	vld [tilespmem:s7+$0xFA0];
	_ =	sdelay $0x4  }
0x67: {  	v2 =	vld [tilespmem:s7+$0x0];
	v0 =	vadd.s32 v0, v1  }
.Ltmp4:
0x68: {  	_ = 	snop;
	(pc) =	sbr.rel @p0 .LBB2_12-.Ltmp4, $2  }
0x69: {  	_ =	sdelay $0x2  }
0x6a: {  	[tilespmem:v0+s5+$0x0] =	vst.idx.add.f32.msk $0xffff, v2  }
0x6b: {  	s5 =	simm.s32 $0x2  }
0x6c: {  	_ =	swait.ge [sflag:s5], $0x7D0  }
0x6d: {  	[sflag:s5] =	ssyncset.done $0x0  }
0x6e: {  	[sflag:s5] =	ssyncadd.s32 $0xFFFFF830  }
0x6f: {  	_ =	swait.ge [sflag:s5], $0x7D0  }
0x70: {  	v0 =	vlaneseq.u32;
	s7 =	simm.s32 $0x0;
	[sflag:s5] =	ssyncset.done $0x0  }
0x71: {  	s6 =	simm.s32 $0x40;
	v0 =	vmul.u32 $0x400, v0;
	[sflag:s5] =	ssyncadd.s32 $0xFFFFF830;
	s5 =	simm.s32 $0x1F40  }
.LBB2_10:
0x72: {  	p0 =	sne.s32 s6, $0x1F00;
	v1 =	vld [tilespmem:s7+$0x1770];
	_ =	sdelay $0x4  }
0x73: {  	v2 =	vld [tilespmem:s7+$0x7D0];
	v1 =	vadd.s32 v0, v1  }
.Ltmp5:
0x74: {  	(pc) =	sbr.rel @p0 .LBB2_10-.Ltmp5, $2  }
0x75: {  	_ =	sdelay $0x2  }
0x76: {  	s7 =	sshra.s32 s6, $0x2;
	s6 =	sadd.s32 $0x40, s6;
	[tilespmem:v1+s5+$0x0] =	vst.idx.add.f32.msk $0xffff, v2  }
0x77: {  	v1 =	vld [tilespmem:s7+$0x1770];
	_ =	sdelay $0x4  }
0x78: {  	v2 =	vld [tilespmem:s7+$0x7D0];
	v0 =	vadd.s32 v0, v1;
	_ =	sdelay $0x4  }
0x79: {  	[tilespmem:v0+s5+$0x0] =	vst.idx.add.f32.msk $0xffff, v2  }
.LBB2_12:
0x7a: {  	s6 =	simm.s32 $0x0  }
0x7b: {  	v0 =	vld [tilespmem:s6+$0x1F40]  }
0x7c: {  	v1 =	vld [tilespmem:s6+$0x2340];
	_ =	sdelay $0x1  }
0x7d: {  	v2 =	vld [tilespmem:s6+$0x2740];
	_ =	sdelay $0x1  }
0x7e: {  	v3 =	vld [tilespmem:s6+$0x2B40]  }
0x7f: {  	v0 =	vadd.f32 v1, v0  }
0x80: {  	v1 =	vld [tilespmem:s6+$0x2F40]  }
0x81: {  	v0 =	vadd.f32 v2, v0  }
0x82: {  	v2 =	vld [tilespmem:s6+$0x3340]  }
0x83: {  	v0 =	vadd.f32 v3, v0  }
0x84: {  	v3 =	vld [tilespmem:s6+$0x3740]  }
0x85: {  	v0 =	vadd.f32 v1, v0  }
0x86: {  	v1 =	vld [tilespmem:s6+$0x3B40]  }
0x87: {  	s5 =	simm.s32 $0x10;
	v4 =	vld [tilespmem:s6+$0x3F40];
	v0 =	vadd.f32 v2, v0  }
0x88: {  	v5 =	vld [tilespmem:s5+$0x1F40]  }
0x89: {  	v2 =	vld [tilespmem:s6+$0x4340];
	v0 =	vadd.f32 v3, v0  }
0x8a: {  	v3 =	vld [tilespmem:s5+$0x2340]  }
0x8b: {  	v6 =	vld [tilespmem:s5+$0x2740];
	v0 =	vadd.f32 v1, v0  }
0x8c: {  	v1 =	vld [tilespmem:s6+$0x4740]  }
0x8d: {  	v7 =	vld [tilespmem:s5+$0x2B40];
	v0 =	vadd.f32 v4, v0  }
0x8e: {  	v4 =	vld [tilespmem:s6+$0x4B40]  }
0x8f: {  	v3 =	vadd.f32 v3, v5;
	v5 =	vld [tilespmem:s5+$0x2F40];
	v0 =	vadd.f32 v2, v0  }
0x90: {  	v2 =	vld [tilespmem:s6+$0x4F40]  }
0x91: {  	v3 =	vadd.f32 v6, v3;
	v6 =	vld [tilespmem:s5+$0x3340];
	v0 =	vadd.f32 v1, v0  }
0x92: {  	v1 =	vld [tilespmem:s6+$0x5340]  }
0x93: {  	v8 =	vld [tilespmem:s5+$0x3740];
	v3 =	vadd.f32 v7, v3;
	v0 =	vadd.f32 v4, v0  }
0x94: {  	v7 =	vld [tilespmem:s6+$0x5740]  }
0x95: {  	v4 =	vadd.f32 v5, v3;
	v3 =	vld [tilespmem:s5+$0x3B40];
	v5 =	vadd.f32 v2, v0  }
0x96: {  	v2 =	vld [tilespmem:s6+$0x5B40]  }
0x97: {  	v0 =	vld [tilespmem:s5+$0x4340];
	v6 =	vadd.f32 v6, v4;
	v9 =	vadd.f32 v1, v5  }
0x98: {  	s7 =	simm.s32 $0x20;
	v4 =	vld [tilespmem:s5+$0x3F40]  }
0x99: {  	s8 =	simm.s32 $0xC0;
	v1 =	vld [tilespmem:s7+$0x1F40];
	v5 =	vadd.f32 v8, v6;
	v6 =	vadd.f32 v7, v9  }
.LBB2_13:
0x9a: {  	p0 =	sne.s32 s8, $0xFC0;
	v7 =	vld [tilespmem:s7+$0x2340]  }
0x9b: {  	v3 =	vadd.f32 v3, v5;
	v5 =	vld [tilespmem:s5+$0x4740];
	v2 =	vadd.f32 v2, v6  }
0x9c: {  	v6 =	vld [tilespmem:s7+$0x2740]  }
0x9d: {  	v3 =	vadd.f32 v4, v3;
	v4 =	vld [tilespmem:s5+$0x4B40];
	[tilespmem:s6+$0x5F40] =	vst v2;
	s6 =	smov.u32 s5;
	s5 =	smov.u32 s7  }
0x9e: {  	v2 =	vld [tilespmem:s5+$0x2B40]  }
0x9f: {  	v1 =	vadd.f32 v7, v1;
	v0 =	vadd.f32 v0, v3;
	v3 =	vld [tilespmem:s6+$0x4F40]  }
0xa0: {  	v7 =	vld [tilespmem:s5+$0x2F40]  }
0xa1: {  	v1 =	vadd.f32 v6, v1;
	v0 =	vadd.f32 v5, v0;
	v5 =	vld [tilespmem:s6+$0x5340]  }
0xa2: {  	v6 =	vld [tilespmem:s5+$0x3340]  }
0xa3: {  	v1 =	vadd.f32 v2, v1;
	v0 =	vadd.f32 v4, v0;
	v8 =	vld [tilespmem:s6+$0x5740]  }
0xa4: {  	v9 =	vld [tilespmem:s5+$0x3740]  }
.Ltmp6:
0xa5: {  	v1 =	vadd.f32 v7, v1;
	v4 =	vadd.f32 v3, v0;
	v2 =	vld [tilespmem:s6+$0x5B40];
	(pc) =	sbr.rel @p0 .LBB2_13-.Ltmp6, $4  }
0xa6: {  	v3 =	vld [tilespmem:s5+$0x3B40]  }
0xa7: {  	v6 =	vadd.f32 v6, v1;
	v0 =	vld [tilespmem:s5+$0x4340];
	v7 =	vadd.f32 v5, v4  }
0xa8: {  	s7 =	sshra.s32 s8, $0x2;
	v4 =	vld [tilespmem:s5+$0x3F40]  }
0xa9: {  	s8 =	sadd.s32 $0x40, s8;
	v1 =	vld [tilespmem:s7+$0x1F40];
	v5 =	vadd.f32 v9, v6;
	v6 =	vadd.f32 v8, v7  }
0xaa: {  	v7 =	vld [tilespmem:s7+$0x2340]  }
0xab: {  	v8 =	vld [tilespmem:s5+$0x4740];
	v2 =	vadd.f32 v2, v6  }
0xac: {  	v31 =	vld [tilespmem:s7+$0x2740]  }
0xad: {  	v9 =	vld [tilespmem:s5+$0x4B40];
	v3 =	vadd.f32 v3, v5;
	[tilespmem:s6+$0x5F40] =	vst v2  }
0xae: {  	v2 =	vld [tilespmem:s7+$0x2B40]  }
0xaf: {  	v3 =	vadd.f32 v4, v3;
	v1 =	vadd.f32 v7, v1  }
0xb0: {  	v32 =	vld [tilespmem:s7+$0x2F40]  }
0xb1: {  	v33 =	vld [tilespmem:s5+$0x4F40];
	v0 =	vadd.f32 v0, v3;
	v1 =	vadd.f32 v31, v1  }
0xb2: {  	v34 =	vld [tilespmem:s7+$0x3340]  }
0xb3: {  	v35 =	vld [tilespmem:s5+$0x5340];
	v0 =	vadd.f32 v8, v0;
	v1 =	vadd.f32 v2, v1  }
0xb4: {  	v36 =	vld [tilespmem:s7+$0x3740]  }
0xb5: {  	v37 =	vld [tilespmem:s5+$0x5740];
	v0 =	vadd.f32 v9, v0;
	v1 =	vadd.f32 v32, v1  }
0xb6: {  	v38 =	vld [tilespmem:s7+$0x3B40]  }
0xb7: {  	v39 =	vld [tilespmem:s5+$0x5B40];
	v0 =	vadd.f32 v33, v0;
	v1 =	vadd.f32 v34, v1  }
0xb8: {  	v40 =	vld [tilespmem:s7+$0x3F40]  }
0xb9: {  	v0 =	vadd.f32 v35, v0;
	v1 =	vadd.f32 v36, v1  }
0xba: {  	v41 =	vld [tilespmem:s7+$0x4340]  }
0xbb: {  	v0 =	vadd.f32 v37, v0;
	v1 =	vadd.f32 v38, v1  }
0xbc: {  	v42 =	vld [tilespmem:s7+$0x4740]  }
0xbd: {  	v0 =	vadd.f32 v39, v0;
	v1 =	vadd.f32 v40, v1  }
0xbe: {  	v43 =	vld [tilespmem:s7+$0x4B40]  }
0xbf: {  	[tilespmem:s5+$0x5F40] =	vst v0;
	v44 =	vadd.f32 v41, v1  }
0xc0: {  	v45 =	vld [tilespmem:s7+$0x4F40]  }
0xc1: {  	v0 =	vadd.f32 v42, v44  }
0xc2: {  	v46 =	vld [tilespmem:s7+$0x5340]  }
0xc3: {  	v0 =	vadd.f32 v43, v0  }
0xc4: {  	v47 =	vld [tilespmem:s7+$0x5740]  }
0xc5: {  	v0 =	vadd.f32 v45, v0  }
0xc6: {  	v48 =	vld [tilespmem:s7+$0x5B40]  }
0xc7: {  	v0 =	vadd.f32 v46, v0;
	_ =	sdelay $0x1  }
0xc8: {  	v0 =	vadd.f32 v47, v0;
	_ =	sdelay $0x1  }
0xc9: {  	v0 =	vadd.f32 v48, v0;
	_ =	sdelay $0x1  }
0xca: {  	s24 =	simm.s32 $0x5F40;
	s25 =	simm.s32 $0x3;
	[tilespmem:s7+$0x5F40] =	vst v0  }
0xcb: {  	[spmem:s4] =	stream.linear.scatter [tilespmem:s24], [sflag:$0x3], $0x400, $0x38;
	[tilespmem:$0x6B80] =	vst v63  }
0xcc: {  	_ =	swait.ge [sflag:s25], $0x400  }
0xcd: {  	[sflag:s25] =	ssyncset.done $0x0  }
0xce: {  	s26 =	simm.s32 $0x40;
	[sflag:s25] =	ssyncadd.s32 $0xFFFFFC00  }
0xcf: {  	s28 =	simm.s32 $0x400;
	s29 =	simm.s32 $0x6340;
	[bflag:$0x0] =	sbarrier.arrive $0xFFFF  }
0xd0: {  	[tilespmem:s29], [sflag:$0x3] =	stream.strided.gather [spmem:s3], $0x400, s28, s26, $0x38;
	[tilespmem:$0x6B80] =	vst v63  }
0xd1: {  	_ =	swait.ge [sflag:s25], $0x400  }
0xd2: {  	[sflag:s25] =	ssyncset.done $0x0  }
0xd3: {  	[sflag:s25] =	ssyncadd.s32 $0xFFFFFC00  }
0xd4: {  	v49 =	vld [tilespmem:$0x6340]  }
0xd5: {  	v50 =	vld [tilespmem:$0x6380]  }
0xd6: {  	v51 =	vld [tilespmem:$0x63C0]  }
0xd7: {  	v52 =	vld [tilespmem:$0x6400]  }
0xd8: {  	v53 =	vld [tilespmem:$0x6440]  }
0xd9: {  	v54 =	vld [tilespmem:$0x6480]  }
0xda: {  	v55 =	vld [tilespmem:$0x64C0]  }
0xdb: {  	v56 =	vld [tilespmem:$0x6500]  }
0xdc: {  	v57 =	vld [tilespmem:$0x6540]  }
0xdd: {  	v58 =	vld [tilespmem:$0x6580]  }
0xde: {  	v10 =	vld [tilespmem:$0x65C0]  }
0xdf: {  	v11 =	vld [tilespmem:$0x6600]  }
0xe0: {  	v12 =	vld [tilespmem:$0x6640]  }
0xe1: {  	v13 =	vld [tilespmem:$0x6680]  }
0xe2: {  	v14 =	vld [tilespmem:$0x66C0]  }
0xe3: {  	v15 =	vld [tilespmem:$0x6700]  }
0xe4: {  	v16 =	vld [tilespmem:$0x6350]  }
0xe5: {  	v17 =	vld [tilespmem:$0x6390]  }
0xe6: {  	v18 =	vld [tilespmem:$0x63D0]  }
0xe7: {  	v19 =	vld [tilespmem:$0x6410]  }
0xe8: {  	v20 =	vld [tilespmem:$0x6450]  }
0xe9: {  	v21 =	vld [tilespmem:$0x6490]  }
0xea: {  	v22 =	vld [tilespmem:$0x64D0]  }
0xeb: {  	v23 =	vld [tilespmem:$0x6510]  }
0xec: {  	v24 =	vld [tilespmem:$0x6550]  }
0xed: {  	v25 =	vld [tilespmem:$0x6590]  }
0xee: {  	v26 =	vld [tilespmem:$0x65D0]  }
0xef: {  	v27 =	vld [tilespmem:$0x6610]  }
0xf0: {  	v28 =	vld [tilespmem:$0x6650]  }
0xf1: {  	v29 =	vld [tilespmem:$0x6690]  }
0xf2: {  	v30 =	vld [tilespmem:$0x66D0]  }
0xf3: {  	v31 =	vld [tilespmem:$0x6710]  }
0xf4: {  	v32 =	vld [tilespmem:$0x6360]  }
0xf5: {  	v33 =	vld [tilespmem:$0x63A0]  }
0xf6: {  	v34 =	vld [tilespmem:$0x6370]  }
0xf7: {  	v35 =	vld [tilespmem:$0x63B0]  }
0xf8: {  	v36 =	vld [tilespmem:$0x63E0]  }
0xf9: {  	v59 =	vld [tilespmem:$0x63F0];
	v0 =	vadd.f32 v50, v49  }
0xfa: {  	v60 =	vld [tilespmem:$0x6420];
	v16 =	vadd.f32 v17, v16  }
0xfb: {  	v62 =	vld [tilespmem:$0x6430];
	v61 =	vadd.f32 v33, v32;
	v0 =	vadd.f32 v51, v0  }
0xfc: {  	v37 =	vld [tilespmem:$0x6460];
	v63 =	vadd.f32 v35, v34;
	v16 =	vadd.f32 v18, v16  }
0xfd: {  	v38 =	vld [tilespmem:$0x6470];
	v2 =	vadd.f32 v36, v61;
	v0 =	vadd.f32 v52, v0  }
0xfe: {  	v39 =	vld [tilespmem:$0x64A0];
	v1 =	vadd.f32 v59, v63;
	v16 =	vadd.f32 v19, v16  }
0xff: {  	v40 =	vld [tilespmem:$0x64B0];
	v2 =	vadd.f32 v60, v2;
	v0 =	vadd.f32 v53, v0  }
0x100: {  	v41 =	vld [tilespmem:$0x64E0];
	v1 =	vadd.f32 v62, v1;
	v16 =	vadd.f32 v20, v16  }
0x101: {  	v42 =	vld [tilespmem:$0x64F0];
	v2 =	vadd.f32 v37, v2;
	v0 =	vadd.f32 v54, v0  }
0x102: {  	v43 =	vld [tilespmem:$0x6520];
	v1 =	vadd.f32 v38, v1;
	v16 =	vadd.f32 v21, v16  }
0x103: {  	v44 =	vld [tilespmem:$0x6530];
	v2 =	vadd.f32 v39, v2;
	v0 =	vadd.f32 v55, v0  }
0x104: {  	v45 =	vld [tilespmem:$0x6560];
	v1 =	vadd.f32 v40, v1;
	v16 =	vadd.f32 v22, v16  }
0x105: {  	v46 =	vld [tilespmem:$0x6570];
	v2 =	vadd.f32 v41, v2;
	v0 =	vadd.f32 v56, v0  }
0x106: {  	v47 =	vld [tilespmem:$0x65A0];
	v1 =	vadd.f32 v42, v1;
	v16 =	vadd.f32 v23, v16  }
0x107: {  	v48 =	vld [tilespmem:$0x65B0];
	v2 =	vadd.f32 v43, v2;
	v0 =	vadd.f32 v57, v0  }
0x108: {  	v50 =	vld [tilespmem:$0x65E0];
	v1 =	vadd.f32 v44, v1;
	v49 =	vadd.f32 v24, v16  }
0x109: {  	v51 =	vld [tilespmem:$0x65F0];
	v2 =	vadd.f32 v45, v2;
	v0 =	vadd.f32 v58, v0  }
0x10a: {  	v52 =	vld [tilespmem:$0x6620];
	v1 =	vadd.f32 v46, v1;
	v8 =	vadd.f32 v25, v49  }
0x10b: {  	v53 =	vld [tilespmem:$0x6630];
	v2 =	vadd.f32 v47, v2;
	v0 =	vadd.f32 v10, v0  }
0x10c: {  	v54 =	vld [tilespmem:$0x6660];
	v1 =	vadd.f32 v48, v1;
	v8 =	vadd.f32 v26, v8  }
0x10d: {  	v55 =	vld [tilespmem:$0x6670];
	v2 =	vadd.f32 v50, v2;
	v0 =	vadd.f32 v11, v0  }
0x10e: {  	v56 =	vld [tilespmem:$0x66A0];
	v1 =	vadd.f32 v51, v1;
	v8 =	vadd.f32 v27, v8  }
0x10f: {  	v57 =	vld [tilespmem:$0x66B0];
	v2 =	vadd.f32 v52, v2;
	v0 =	vadd.f32 v12, v0  }
0x110: {  	v58 =	vld [tilespmem:$0x66E0];
	v1 =	vadd.f32 v53, v1;
	v8 =	vadd.f32 v28, v8  }
0x111: {  	v59 =	vld [tilespmem:$0x66F0];
	v2 =	vadd.f32 v54, v2;
	v0 =	vadd.f32 v13, v0  }
0x112: {  	v60 =	vld [tilespmem:$0x6720];
	v1 =	vadd.f32 v55, v1;
	v8 =	vadd.f32 v29, v8  }
0x113: {  	v61 =	vld [tilespmem:$0x6730];
	v2 =	vadd.f32 v56, v2;
	v0 =	vadd.f32 v14, v0  }
0x114: {  	v1 =	vadd.f32 v57, v1;
	v8 =	vadd.f32 v30, v8  }
0x115: {  	v2 =	vadd.f32 v58, v2;
	v0 =	vadd.f32 v15, v0  }
0x116: {  	v1 =	vadd.f32 v59, v1;
	v62 =	vadd.f32 v31, v8  }
0x117: {  	v63 =	vadd.f32 v60, v2;
	[tilespmem:$0x6740] =	vst v0  }
0x118: {  	v1 =	vadd.f32 v61, v1;
	[tilespmem:$0x6750] =	vst v62  }
0x119: {  	[tilespmem:$0x6760] =	vst v63  }
0x11a: {  	s30 =	simm.s32 $0x0;
	s31 =	simm.s32 $0x6740;
	[tilespmem:$0x6770] =	vst v1  }
0x11b: {  	[hbm4b:s2+s30] =	stream.linear.scatter [tilespmem:s31], [sflag:$0x3], $0x40, $0x38;
	[tilespmem:$0x6B80] =	vst v63  }
0x11c: {  	_ =	swait.ge [sflag:s25], $0x40  }
0x11d: {  	[sflag:s25] =	ssyncset.done $0x0  }
0x11e: {  	[sflag:s25] =	ssyncadd.s32 $0xFFFFFFC0  }
0x11f: {  	_ =	sfence.sel $0x180000  }
0x120: {  	[bflag:$0x0] =	sbarrier.arrive $0xFFFF  }
0x121: {  	p0 =	sne.s32 s0, $0x0;
	_ =	strace $0x90000047  }
0x122: {  	s0 =	sadd.s32 @!p0 $0x100000, s1;
	[bflag:$0x2] =	sbarrier.arrive $0xFFFF  }
0x123: {  	[sflag:s0] =	ssyncadd.tile.s32 @!p0 $0x1;
	_ =	shalt  }
.Lfunc_end2:
_tile_overlayer_lowered:
.L_overlay_start_2:
0x124: {  	(tag) =	ssettag $0x2  }
0x125: {  	s0 =	rddreg [dreg:$0x0];
	s2 =	stileid.u32  }
0x126: {  	s1 =	rddreg [dreg:$0x1];
	p0 =	sne.s32 s2, $0x0  }
0x127: {  	s3 =	rddreg [dreg:$0x2];
	[bflag:$0x3] =	sbarrier.arrive $0xFFFF;
	s2 =	simm.s32 @!p0 $0x1C03  }
0x128: {  	[timem:s3], [sflag:s2] =	dma.local @!p0 [hbm:s0], s1  }
0x129: {  	s0 =	simm.s32 @!p0 $0x3  }
0x12a: {  	_ =	swait.ge @!p0 [sflag:s0], s1  }
0x12b: {  	s1 =	ssub.s32 @!p0 $0x0, s1;
	[sflag:s0] =	ssyncset.done @!p0 $0x0  }
0x12c: {  	[sflag:s0] =	ssyncadd.s32 @!p0 s1  }
0x12d: {  	[bflag:$0x3] =	sbarrier.arrive $0xFFFF  }
0x12e: {  	_ =	shalt  }

</sc_bundles>
